<compile_context>
chip_gen: v7x
topology: tpu7x:2x2x1
jax: 0.10.2.dev20260603
libtpu: 0.0.44.dev20260713+nightly
codegen_flags: <defaults>
</compile_context>

<pallas_src>
import functools

import numpy as np
import jax
import jax.numpy as jnp
from jax import lax
from jax.experimental import pallas as pl
from jax.experimental.pallas import tpu as pltpu
from jax.experimental.pallas import tpu_sc as plsc

_B = 2
_IN_DIM = 256
_C = 32
_H = _W = 64
_N = _H * _W
_KWIN = 25
_S = 1024
_NLOC = _KWIN * _KWIN
_NRAND = _S - _NLOC
_ROWS = _B * _N
_INV_SQRT_C = float(_C) ** -0.5

_NUM_WORKERS = 32
_ROWS_PER_W = _N // _NUM_WORKERS
_RCHUNK = 4
_NCHUNK = _ROWS_PER_W // _RCHUNK
_NGROUP = _S // 16
_SEGROWS = _RCHUNK


def _local_window_inds():
    half = (_KWIN - 1) // 2
    idx = np.arange(_N, dtype=np.int64).reshape(_H, _W)
    padded = np.zeros((_H + 2 * half, _W + 2 * half), dtype=np.int64)
    padded[half:half + _H, half:half + _W] = idx
    win = np.lib.stride_tricks.sliding_window_view(padded, (_KWIN, _KWIN))
    return win.reshape(_N, _NLOC).astype(np.int32)


_LOCAL_INDS = _local_window_inds()
_LOCAL_ADDR = (((np.arange(_N, dtype=np.int32)[:, None] % _RCHUNK) << 12)
               + _LOCAL_INDS)


def _proj_body(x_ref, wq_ref, wk_ref, qb_ref, kb_ref, q_ref, kt_ref):
    x = x_ref[0]
    q = lax.dot_general(x, wq_ref[...], (((0,), (1,)), ((), ())),
                        preferred_element_type=jnp.float32,
                        precision=lax.Precision.HIGHEST)
    q_ref[0] = q + qb_ref[...]
    kt = lax.dot_general(wk_ref[...], x, (((1,), (0,)), ((), ())),
                         preferred_element_type=jnp.float32,
                         precision=lax.Precision.HIGHEST)
    kt_ref[0] = kt + kb_ref[...]


def _projections(x, wqc, wkc, qbias, kbias):
    bn = 2048
    grid = (_B, _N // bn)
    return pl.pallas_call(
        _proj_body,
        grid=grid,
        in_specs=[
            pl.BlockSpec((1, _IN_DIM, bn), lambda b, j: (b, 0, j)),
            pl.BlockSpec((_C, _IN_DIM), lambda b, j: (0, 0)),
            pl.BlockSpec((_C, _IN_DIM), lambda b, j: (0, 0)),
            pl.BlockSpec((1, _C), lambda b, j: (0, 0)),
            pl.BlockSpec((_C, 1), lambda b, j: (0, 0)),
        ],
        out_specs=[
            pl.BlockSpec((1, bn, _C), lambda b, j: (b, j, 0)),
            pl.BlockSpec((1, _C, bn), lambda b, j: (b, 0, j)),
        ],
        out_shape=[
            jax.ShapeDtypeStruct((_B, _N, _C), jnp.float32),
            jax.ShapeDtypeStruct((_B, _C, _N), jnp.float32),
        ],
    )(x, wqc, wkc, qbias, kbias)


def _aff_body(q_ref, kt_ref, a_ref):
    a = lax.dot_general(q_ref[0], kt_ref[0], (((1,), (0,)), ((), ())),
                        preferred_element_type=jnp.float32,
                        precision=lax.Precision.DEFAULT)
    a_ref[0] = a * _INV_SQRT_C


def _affinity(qb, ktb):
    bm, bn = 512, 2048
    grid = (_N // bm, _N // bn)
    return pl.pallas_call(
        _aff_body,
        grid=grid,
        in_specs=[
            pl.BlockSpec((1, bm, _C), lambda i, j: (0, i, 0)),
            pl.BlockSpec((1, _C, bn), lambda i, j: (0, 0, j)),
        ],
        out_specs=pl.BlockSpec((1, bm, bn), lambda i, j: (0, i, j)),
        out_shape=jax.ShapeDtypeStruct((1, _N, _N), jnp.float32),
    )(qb, ktb)


def _idx_body(loc_ref, rand_ref, out_ref):
    rb = out_ref.shape[0]
    row = jax.lax.broadcasted_iota(jnp.int32, (rb, _NRAND), 0)
    out_ref[:, 0:_NLOC] = loc_ref[...]
    out_ref[:, _NLOC:_S] = ((row & (_RCHUNK - 1)) << 12) + rand_ref[0]


def _assemble_inds(local_tab, rand_b):
    rb = 2048
    grid = (_N // rb,)
    return pl.pallas_call(
        _idx_body,
        grid=grid,
        in_specs=[
            pl.BlockSpec((rb, _NLOC), lambda i: (i, 0)),
            pl.BlockSpec((1, rb, _NRAND), lambda i: (0, i, 0)),
        ],
        out_specs=pl.BlockSpec((rb, _S), lambda i: (i, 0)),
        out_shape=jax.ShapeDtypeStruct((_N, _S), jnp.int32),
    )(local_tab, rand_b)


def _sc_body(a_hbm, idx_hbm, segtab_hbm, outl_hbm, outs_hbm,
             a_v0, a_v1, idx_v0, idx_v1, segtab_v,
             outl_v0, outl_v1, outs_v0, outs_v1,
             sin0, sin1, sout0, sout1):
    wid = lax.axis_index("s") * 2 + lax.axis_index("c")
    pltpu.sync_copy(segtab_hbm, segtab_v)
    row0 = wid * _ROWS_PER_W

    bufs = ((a_v0, idx_v0, outl_v0, outs_v0, sin0, sout0),
            (a_v1, idx_v1, outl_v1, outs_v1, sin1, sout1))

    def start_in(ci, buf):
        a_v, idx_v, _, _, sin, _ = buf
        base = row0 + ci * _RCHUNK
        pltpu.async_copy(a_hbm.at[pl.ds(base, _RCHUNK)], a_v, sin)
        pltpu.async_copy(idx_hbm.at[pl.ds(base, _RCHUNK)], idx_v, sin)

    def wait_in(ci, buf):
        a_v, idx_v, _, _, sin, _ = buf
        base = row0 + ci * _RCHUNK
        pltpu.make_async_copy(a_hbm.at[pl.ds(base, _RCHUNK)], a_v, sin).wait()
        pltpu.make_async_copy(idx_hbm.at[pl.ds(base, _RCHUNK)], idx_v,
                              sin).wait()

    def start_out(ci, buf):
        _, _, outl_v, outs_v, _, sout = buf
        base = row0 + ci * _RCHUNK
        pltpu.async_copy(outl_v, outl_hbm.at[pl.ds(base, _RCHUNK)], sout)
        pltpu.async_copy(outs_v, outs_hbm.at[pl.ds(base, _RCHUNK)], sout)

    def wait_out(ci, buf):
        _, _, outl_v, outs_v, _, sout = buf
        base = row0 + ci * _RCHUNK
        pltpu.make_async_copy(outl_v, outl_hbm.at[pl.ds(base, _RCHUNK)],
                              sout).wait()
        pltpu.make_async_copy(outs_v, outs_hbm.at[pl.ds(base, _RCHUNK)],
                              sout).wait()

    def compute(buf):
        a_v, idx_v, outl_v, outs_v, _, _ = buf

        def row_body(r, _):
            def grp_body(g):
                sl = pl.ds(g * 16, 16)
                addrs = idx_v[r, sl]
                hi = addrs >> 12
                lo = addrs & 4095
                outl_v[r, sl] = plsc.load_gather(a_v, [hi, lo])
                outs_v[r, sl] = plsc.load_gather(segtab_v, [hi, lo])

            plsc.parallel_loop(0, _NGROUP, 1, unroll=8)(grp_body)
            return 0

        lax.fori_loop(0, _RCHUNK, row_body, 0)

    start_in(0, bufs[0])

    def pair_body(i, _):
        c0 = i * 2
        start_in(c0 + 1, bufs[1])
        wait_in(c0, bufs[0])

        @pl.when(i > 0)
        def _():
            wait_out(c0 - 2, bufs[0])

        compute(bufs[0])
        start_out(c0, bufs[0])

        @pl.when(i < _NCHUNK // 2 - 1)
        def _():
            start_in(c0 + 2, bufs[0])

        wait_in(c0 + 1, bufs[1])

        @pl.when(i > 0)
        def _():
            wait_out(c0 - 1, bufs[1])

        compute(bufs[1])
        start_out(c0 + 1, bufs[1])
        return 0

    lax.fori_loop(0, _NCHUNK // 2, pair_body, 0)
    wait_out(_NCHUNK - 2, bufs[0])
    wait_out(_NCHUNK - 1, bufs[1])


def _sc_gather(a2, sample_addrs, segtab):
    fn = functools.partial(
        pl.kernel,
        mesh=plsc.VectorSubcoreMesh(core_axis_name="c", subcore_axis_name="s"),
        compiler_params=pltpu.CompilerParams(needs_layout_passes=False),
        out_type=[
            jax.ShapeDtypeStruct((_N, _S), jnp.float32),
            jax.ShapeDtypeStruct((_N, _S), jnp.int32),
        ],
        scratch_types=[
            pltpu.VMEM((_RCHUNK, _N), jnp.float32),
            pltpu.VMEM((_RCHUNK, _N), jnp.float32),
            pltpu.VMEM((_RCHUNK, _S), jnp.int32),
            pltpu.VMEM((_RCHUNK, _S), jnp.int32),
            pltpu.VMEM((_SEGROWS, _N), jnp.int32),
            pltpu.VMEM((_RCHUNK, _S), jnp.float32),
            pltpu.VMEM((_RCHUNK, _S), jnp.float32),
            pltpu.VMEM((_RCHUNK, _S), jnp.int32),
            pltpu.VMEM((_RCHUNK, _S), jnp.int32),
            pltpu.SemaphoreType.DMA,
            pltpu.SemaphoreType.DMA,
            pltpu.SemaphoreType.DMA,
            pltpu.SemaphoreType.DMA,
        ],
    )(_sc_body)
    return fn(a2, sample_addrs, segtab)


def _loss_body(l_ref, s_ref, seg_ref, out_ref, acc_ref):
    step = pl.program_id(0)
    nsteps = pl.num_programs(0)

    @pl.when(step == 0)
    def _():
        acc_ref[0] = 0.0
        acc_ref[1] = 0.0

    logits = l_ref[...]
    samples = s_ref[...]
    seg = seg_ref[...]
    mask = 1.0 - (seg == 0).astype(jnp.float32)
    targets = (samples == seg).astype(jnp.float32)
    maxes = jnp.max(logits, axis=-1, keepdims=True)
    shifted = logits - maxes
    denom = jnp.sum(jnp.exp(shifted), axis=-1, keepdims=True) * mask + 1e-9
    y_pred_log = jnp.maximum(shifted - jnp.log(denom),
                             jnp.float32(np.log(1e-8)))
    t_sum = jnp.sum(targets, axis=-1, keepdims=True) + 1e-9
    tl_sum = jnp.sum(targets * y_pred_log, axis=-1, keepdims=True)
    t_cnt = jnp.sum(targets, axis=-1, keepdims=True)
    kl_row = (mask / t_sum) * (-jnp.log(t_sum) * t_cnt - tl_sum)
    acc_ref[0] += jnp.sum(kl_row)
    acc_ref[1] += jnp.sum(mask)

    @pl.when(step == nsteps - 1)
    def _():
        out_ref[0, 0] = acc_ref[0]
        out_ref[0, 1] = acc_ref[1]


def _loss_partial(logits_b, samples_b, seg_col_b):
    rb = 512
    grid = (_N // rb,)
    return pl.pallas_call(
        _loss_body,
        grid=grid,
        in_specs=[
            pl.BlockSpec((rb, _S), lambda i: (i, 0)),
            pl.BlockSpec((rb, _S), lambda i: (i, 0)),
            pl.BlockSpec((rb, 1), lambda i: (i, 0)),
        ],
        out_specs=pl.BlockSpec((1, 2), lambda i: (0, 0),
                               memory_space=pltpu.SMEM),
        out_shape=jax.ShapeDtypeStruct((1, 2), jnp.float32),
        scratch_shapes=[pltpu.SMEM((2,), jnp.float32)],
    )(logits_b, samples_b, seg_col_b)


def kernel(features, segment_target, rand_global_inds,
           W_feat, b_feat, W_key, b_key, W_query, b_query):
    x = features.reshape(_B, _IN_DIM, _N)
    wqc = jnp.dot(W_query, W_feat, precision=lax.Precision.HIGHEST)
    wkc = jnp.dot(W_key, W_feat, precision=lax.Precision.HIGHEST)
    qbias = (jnp.dot(W_query, b_feat) + b_query).reshape(1, _C)
    kbias = (jnp.dot(W_key, b_feat) + b_key).reshape(_C, 1)

    q, kt = _projections(x, wqc, wkc, qbias, kbias)
    rand32 = rand_global_inds.astype(jnp.int32)
    seg = segment_target.reshape(_B, _N).astype(jnp.int32)
    local_tab = jnp.asarray(_LOCAL_ADDR)

    logits_halves, partials = [], []
    for b in range(_B):
        a_b = _affinity(q[b:b + 1], kt[b:b + 1]).reshape(_N, _N)
        idx_b = _assemble_inds(local_tab, rand32[b:b + 1])
        segtab_b = jnp.broadcast_to(seg[b].reshape(1, _N), (_SEGROWS, _N))
        logits_b, samples_b = _sc_gather(a_b, idx_b, segtab_b)
        logits_halves.append(logits_b)
        partials.append(_loss_partial(logits_b, samples_b,
                                      seg[b].reshape(_N, 1)))

    psum = partials[0] + partials[1]
    loss = psum[0, 0] / (psum[0, 1] + 1e-9)
    logits = jnp.stack(logits_halves).reshape(_B, _N, _S)
    return (logits, loss)

# --- scband reference (transcript-rebuilt; emitter-appended) ---
"""Pipeline reference for scband-eisen-71485435675204 (READ-ONLY COPY).

The authoritative reference and input builder live on the scoring server;
editing this copy changes nothing except your own understanding.
"""

import jax, jax.numpy as jnp
import numpy as np

B = 2
IN_DIM = 256
KQ_DIM = 32
AFF_H = AFF_W = 64
K_WIN = 25
N_SAMPLES = 1024


def generate_local_indices(H, W, K):
    half = (K - 1) // 2
    idx = np.arange(H * W, dtype=np.int64).reshape(H, W)
    padded = np.zeros((H + 2 * half, W + 2 * half), dtype=np.int64)
    padded[half:half + H, half:half + W] = idx
    win = np.lib.stride_tricks.sliding_window_view(padded, (K, K))
    return jnp.asarray(win.reshape(H * W, K * K))


LOCAL_INDS = generate_local_indices(AFF_H, AFF_W, K_WIN)


def weighted_softmax(x, weight):
    maxes = jnp.max(x, axis=-1, keepdims=True)
    x_exp = jnp.exp(x - maxes)
    x_exp_sum = jnp.sum(x_exp * weight, axis=-1, keepdims=True)
    return (x_exp * weight) / (x_exp_sum + 1e-9)


def setup_inputs(seed: int = 0):
    key = jax.random.key(seed)
    ks = jax.random.split(key, 10)
    features = jax.random.normal(ks[0], (B, IN_DIM, AFF_H, AFF_W), dtype=jnp.float32)
    segment_target = jax.random.randint(ks[1], (B, 1, AFF_H, AFF_W), 0, 16)
    n_rand = N_SAMPLES - K_WIN * K_WIN
    rand_global_inds = jax.random.randint(ks[2], (B, AFF_H * AFF_W, n_rand), 0, AFF_H * AFF_W)
    s1 = 1.0 / np.sqrt(IN_DIM)
    W_feat = jax.random.uniform(ks[3], (KQ_DIM, IN_DIM), minval=-s1, maxval=s1, dtype=jnp.float32)
    b_feat = jnp.zeros((KQ_DIM,), jnp.float32)
    s2 = 1.0 / np.sqrt(KQ_DIM)
    W_key = jax.random.uniform(ks[4], (KQ_DIM, KQ_DIM), minval=-s2, maxval=s2, dtype=jnp.float32)
    b_key = jnp.zeros((KQ_DIM,), jnp.float32)
    W_query = jax.random.uniform(ks[5], (KQ_DIM, KQ_DIM), minval=-s2, maxval=s2, dtype=jnp.float32)
    b_query = jnp.zeros((KQ_DIM,), jnp.float32)
    return {"features": features, "segment_target": segment_target,
            "rand_global_inds": rand_global_inds,
            "W_feat": W_feat, "b_feat": b_feat,
            "W_key": W_key, "b_key": b_key,
            "W_query": W_query, "b_query": b_query}


def reference(features, segment_target, rand_global_inds,
              W_feat, b_feat, W_key, b_key, W_query, b_query):
    Bn, Cin, H, W = features.shape
    N = H * W
    C = W_key.shape[0]
    # feat_conv (1x1 conv) then permute to BHWC
    feat = jnp.einsum('bchw,kc->bhwk', features, W_feat) + b_feat
    # key/query linear projections, then flatten to [B, N, C]
    keyt = (feat @ W_key.T + b_key).reshape(Bn, N, C)
    query = (feat @ W_query.T + b_query).reshape(Bn, N, C)
    # generate_affinity_sample_indices: local window inds + random global inds
    local = jnp.broadcast_to(LOCAL_INDS[None], (Bn, N, LOCAL_INDS.shape[-1]))
    sample_inds = jnp.concatenate([local, rand_global_inds.astype(jnp.int64)], axis=-1)  # [B, N, S]
    bidx = jnp.arange(Bn)[:, None, None]
    # compute_affinity_logits: gather keys at sampled positions, dot with per-node query
    gathered_key = keyt[bidx, sample_inds]  # [B, N, S, C]
    logits = jnp.einsum('bnc,bnsc->bns', query, gathered_key)
    logits = logits * (C ** (-0.5))
    # compute_loss (segment_target already at affinity_res; nearest interp is identity)
    seg = segment_target.reshape(Bn, N, 1)
    samples = seg[:, :, 0][bidx, sample_inds]  # [B, N, S]
    targets = (seg == samples).astype(jnp.float32)
    mask = 1.0 - (seg == 0).astype(jnp.float32)  # [B, N, 1]
    y_pred = weighted_softmax(logits, mask)
    y_pred_log = jnp.log(jnp.clip(y_pred, 1e-8, None))
    y_true = targets / (jnp.sum(targets, axis=-1, keepdims=True) + 1e-9)
    kl = jnp.where(y_true > 0,
                   y_true * (jnp.log(jnp.clip(y_true, 1e-30, None)) - y_pred_log),
                   0.0) * mask
    kl = kl.sum(-1)  # [B, N]
    agg_mask = (mask.sum(-1) > 0).astype(jnp.float32)
    loss = kl.sum() / (agg_mask.sum() + 1e-9)
    return (logits, loss)

if __name__ == "__main__":
    import jax
    _d = setup_inputs()
    print(jax.jit(kernel)(*tuple(_d.values())))

</pallas_src>

<mosaic_0001>
#map = affine_map<(d0, d1) -> (0, 0)>
module attributes {stable_mosaic.version = 14 : i64} {
  func.func @_sc_body(%arg0: i32, %arg1: i32, %arg2: memref<4096x4096xf32, #tpu.memory_space<hbm>>, %arg3: memref<4096x1024xi32, #tpu.memory_space<hbm>>, %arg4: memref<4x4096xi32, #tpu.memory_space<hbm>>, %arg5: memref<4096x1024xf32, #tpu.memory_space<hbm>>, %arg6: memref<4096x1024xi32, #tpu.memory_space<hbm>>, %arg7: memref<4x4096xf32, #tpu.memory_space<vmem>>, %arg8: memref<4x4096xf32, #tpu.memory_space<vmem>>, %arg9: memref<4x1024xi32, #tpu.memory_space<vmem>>, %arg10: memref<4x1024xi32, #tpu.memory_space<vmem>>, %arg11: memref<4x4096xi32, #tpu.memory_space<vmem>>, %arg12: memref<4x1024xf32, #tpu.memory_space<vmem>>, %arg13: memref<4x1024xf32, #tpu.memory_space<vmem>>, %arg14: memref<4x1024xi32, #tpu.memory_space<vmem>>, %arg15: memref<4x1024xi32, #tpu.memory_space<vmem>>, %arg16: memref<!tpu.dma_semaphore, #tpu.memory_space<semaphore_mem>>, %arg17: memref<!tpu.dma_semaphore, #tpu.memory_space<semaphore_mem>>, %arg18: memref<!tpu.dma_semaphore, #tpu.memory_space<semaphore_mem>>, %arg19: memref<!tpu.dma_semaphore, #tpu.memory_space<semaphore_mem>>) attributes {dimension_semantics = [#tpu.dimension_semantics<core_parallel>, #tpu.dimension_semantics<subcore_parallel>], iteration_bounds = array<i64: 2, 16>, scalar_prefetch = 0 : i64, scratch_operands = 13 : i64, tpu.core_type = #tpu.core_type<sc_vector_subcore>, window_params = [{transform_indices = #map}, {transform_indices = #map}, {transform_indices = #map}, {transform_indices = #map}, {transform_indices = #map}]} {
    %mul3A = arith.constant 2 : i32
    %mul3A_0 = arith.muli %arg1, %mul3A : i32
    %add3A = arith.addi %mul3A_0, %arg0 : i32
    "tpu.region"() ({
      %run_scoped3A = tpu.sem_alloc : memref<!tpu.dma_semaphore, #tpu.memory_space<semaphore_mem>>
      tpu.enqueue_dma source(%arg4 : memref<4x4096xi32, #tpu.memory_space<hbm>>) target(%arg11 : memref<4x4096xi32, #tpu.memory_space<vmem>>) target_semaphore(%run_scoped3A : memref<!tpu.dma_semaphore, #tpu.memory_space<semaphore_mem>>)
      tpu.wait_dma2 semaphore(%run_scoped3A : memref<!tpu.dma_semaphore, #tpu.memory_space<semaphore_mem>>) src(%arg4 : memref<4x4096xi32, #tpu.memory_space<hbm>>) dst(%arg11 : memref<4x4096xi32, #tpu.memory_space<vmem>>)
      tpu.yield
    }) : () -> ()
    %mul3A_1 = arith.constant 128 : i32
    %mul3A_2 = arith.muli %add3A, %mul3A_1 : i32
    %add3A_3 = arith.constant 0 : i32
    %add3A_4 = arith.addi %mul3A_2, %add3A_3 : i32
    %dma_start3A = arith.constant 0 : i32
    %dma_start3A_5 = tpu.memref_slice %arg2[%add3A_4, %dma_start3A] : memref<4096x4096xf32, #tpu.memory_space<hbm>> -> memref<4x4096xf32, #tpu.memory_space<hbm>>
    %dma_start3A_6 = arith.constant 0 : i32
    %dma_start3A_7 = tpu.memref_slice %arg2[%add3A_4, %dma_start3A_6] : memref<4096x4096xf32, #tpu.memory_space<hbm>> -> memref<4x4096xf32, #tpu.memory_space<hbm>>
    tpu.enqueue_dma source(%dma_start3A_7 : memref<4x4096xf32, #tpu.memory_space<hbm>>) target(%arg7 : memref<4x4096xf32, #tpu.memory_space<vmem>>) target_semaphore(%arg16 : memref<!tpu.dma_semaphore, #tpu.memory_space<semaphore_mem>>)
    %dma_start3A_8 = arith.constant 0 : i32
    %dma_start3A_9 = tpu.memref_slice %arg3[%add3A_4, %dma_start3A_8] : memref<4096x1024xi32, #tpu.memory_space<hbm>> -> memref<4x1024xi32, #tpu.memory_space<hbm>>
    %dma_start3A_10 = arith.constant 0 : i32
    %dma_start3A_11 = tpu.memref_slice %arg3[%add3A_4, %dma_start3A_10] : memref<4096x1024xi32, #tpu.memory_space<hbm>> -> memref<4x1024xi32, #tpu.memory_space<hbm>>
    tpu.enqueue_dma source(%dma_start3A_11 : memref<4x1024xi32, #tpu.memory_space<hbm>>) target(%arg9 : memref<4x1024xi32, #tpu.memory_space<vmem>>) target_semaphore(%arg16 : memref<!tpu.dma_semaphore, #tpu.memory_space<semaphore_mem>>)
    %scan3A = arith.constant 0 : i32
    %scan3A_12 = arith.constant 0 : i32
    %scan3A_13 = arith.constant 16 : i32
    %scan3A_14 = arith.addi %scan3A_12, %scan3A_13 : i32
    %scan3A_15 = arith.constant 1 : i32
    %scan3A_16 = scf.for %scan3A_37 = %scan3A_12 to %scan3A_14 step %scan3A_15 iter_args(%scan3A_38 = %scan3A) -> (i32)  : i32 {
      %mul3A_39 = arith.constant 2 : i32
      %mul3A_40 = arith.muli %scan3A_37, %mul3A_39 : i32
      %add3A_41 = arith.constant 1 : i32
      %add3A_42 = arith.addi %mul3A_40, %add3A_41 : i32
      %mul3A_43 = arith.constant 4 : i32
      %mul3A_44 = arith.muli %add3A_42, %mul3A_43 : i32
      %add3A_45 = arith.addi %mul3A_2, %mul3A_44 : i32
      %dma_start3A_46 = arith.constant 0 : i32
      %dma_start3A_47 = tpu.memref_slice %arg2[%add3A_45, %dma_start3A_46] : memref<4096x4096xf32, #tpu.memory_space<hbm>> -> memref<4x4096xf32, #tpu.memory_space<hbm>>
      %dma_start3A_48 = arith.constant 0 : i32
      %dma_start3A_49 = tpu.memref_slice %arg2[%add3A_45, %dma_start3A_48] : memref<4096x4096xf32, #tpu.memory_space<hbm>> -> memref<4x4096xf32, #tpu.memory_space<hbm>>
      tpu.enqueue_dma source(%dma_start3A_49 : memref<4x4096xf32, #tpu.memory_space<hbm>>) target(%arg8 : memref<4x4096xf32, #tpu.memory_space<vmem>>) target_semaphore(%arg17 : memref<!tpu.dma_semaphore, #tpu.memory_space<semaphore_mem>>)
      %dma_start3A_50 = arith.constant 0 : i32
      %dma_start3A_51 = tpu.memref_slice %arg3[%add3A_45, %dma_start3A_50] : memref<4096x1024xi32, #tpu.memory_space<hbm>> -> memref<4x1024xi32, #tpu.memory_space<hbm>>
      %dma_start3A_52 = arith.constant 0 : i32
      %dma_start3A_53 = tpu.memref_slice %arg3[%add3A_45, %dma_start3A_52] : memref<4096x1024xi32, #tpu.memory_space<hbm>> -> memref<4x1024xi32, #tpu.memory_space<hbm>>
      tpu.enqueue_dma source(%dma_start3A_53 : memref<4x1024xi32, #tpu.memory_space<hbm>>) target(%arg10 : memref<4x1024xi32, #tpu.memory_space<vmem>>) target_semaphore(%arg17 : memref<!tpu.dma_semaphore, #tpu.memory_space<semaphore_mem>>)
      %mul3A_54 = arith.constant 4 : i32
      %mul3A_55 = arith.muli %mul3A_40, %mul3A_54 : i32
      %add3A_56 = arith.addi %mul3A_2, %mul3A_55 : i32
      %dma_wait3A_57 = arith.constant 0 : i32
      %dma_wait3A_58 = tpu.memref_slice %arg2[%add3A_56, %dma_wait3A_57] : memref<4096x4096xf32, #tpu.memory_space<hbm>> -> memref<4x4096xf32, #tpu.memory_space<hbm>>
      %dma_wait3A_59 = arith.constant 0 : i32
      %dma_wait3A_60 = tpu.memref_slice %arg2[%add3A_56, %dma_wait3A_59] : memref<4096x4096xf32, #tpu.memory_space<hbm>> -> memref<4x4096xf32, #tpu.memory_space<hbm>>
      tpu.wait_dma2 semaphore(%arg16 : memref<!tpu.dma_semaphore, #tpu.memory_space<semaphore_mem>>) src(%dma_wait3A_60 : memref<4x4096xf32, #tpu.memory_space<hbm>>) dst(%arg7 : memref<4x4096xf32, #tpu.memory_space<vmem>>)
      %dma_wait3A_61 = arith.constant 0 : i32
      %dma_wait3A_62 = tpu.memref_slice %arg3[%add3A_56, %dma_wait3A_61] : memref<4096x1024xi32, #tpu.memory_space<hbm>> -> memref<4x1024xi32, #tpu.memory_space<hbm>>
      %dma_wait3A_63 = arith.constant 0 : i32
      %dma_wait3A_64 = tpu.memref_slice %arg3[%add3A_56, %dma_wait3A_63] : memref<4096x1024xi32, #tpu.memory_space<hbm>> -> memref<4x1024xi32, #tpu.memory_space<hbm>>
      tpu.wait_dma2 semaphore(%arg16 : memref<!tpu.dma_semaphore, #tpu.memory_space<semaphore_mem>>) src(%dma_wait3A_64 : memref<4x1024xi32, #tpu.memory_space<hbm>>) dst(%arg9 : memref<4x1024xi32, #tpu.memory_space<vmem>>)
      %gt3A = arith.constant 0 : i32
      %gt3A_65 = arith.cmpi sgt, %scan3A_37, %gt3A : i32
      %convert_element_type3A = arith.extui %gt3A_65 : i1 to i32
      %cond3A = arith.constant 0 : i32
      %cond3A_66 = arith.cmpi ne, %convert_element_type3A, %cond3A : i32
      scf.if %cond3A_66 {
        %sub3A = arith.constant 2 : i32
        %sub3A_128 = arith.subi %mul3A_40, %sub3A : i32
        %mul3A_129 = arith.constant 4 : i32
        %mul3A_130 = arith.muli %sub3A_128, %mul3A_129 : i32
        %add3A_131 = arith.addi %mul3A_2, %mul3A_130 : i32
        %dma_wait3A_132 = arith.constant 0 : i32
        %dma_wait3A_133 = tpu.memref_slice %arg5[%add3A_131, %dma_wait3A_132] : memref<4096x1024xf32, #tpu.memory_space<hbm>> -> memref<4x1024xf32, #tpu.memory_space<hbm>>
        %dma_wait3A_134 = arith.constant 0 : i32
        %dma_wait3A_135 = tpu.memref_slice %arg5[%add3A_131, %dma_wait3A_134] : memref<4096x1024xf32, #tpu.memory_space<hbm>> -> memref<4x1024xf32, #tpu.memory_space<hbm>>
        tpu.wait_dma2 semaphore(%arg18 : memref<!tpu.dma_semaphore, #tpu.memory_space<semaphore_mem>>) src(%arg12 : memref<4x1024xf32, #tpu.memory_space<vmem>>) dst(%dma_wait3A_135 : memref<4x1024xf32, #tpu.memory_space<hbm>>)
        %dma_wait3A_136 = arith.constant 0 : i32
        %dma_wait3A_137 = tpu.memref_slice %arg6[%add3A_131, %dma_wait3A_136] : memref<4096x1024xi32, #tpu.memory_space<hbm>> -> memref<4x1024xi32, #tpu.memory_space<hbm>>
        %dma_wait3A_138 = arith.constant 0 : i32
        %dma_wait3A_139 = tpu.memref_slice %arg6[%add3A_131, %dma_wait3A_138] : memref<4096x1024xi32, #tpu.memory_space<hbm>> -> memref<4x1024xi32, #tpu.memory_space<hbm>>
        tpu.wait_dma2 semaphore(%arg18 : memref<!tpu.dma_semaphore, #tpu.memory_space<semaphore_mem>>) src(%arg14 : memref<4x1024xi32, #tpu.memory_space<vmem>>) dst(%dma_wait3A_139 : memref<4x1024xi32, #tpu.memory_space<hbm>>)
      } else {
      }
      %scan3A_67 = arith.constant 0 : i32
      %scan3A_68 = arith.constant 0 : i32
      %scan3A_69 = arith.constant 4 : i32
      %scan3A_70 = arith.addi %scan3A_68, %scan3A_69 : i32
      %scan3A_71 = arith.constant 1 : i32
      %scan3A_72 = scf.for %scan3A_128 = %scan3A_68 to %scan3A_70 step %scan3A_71 iter_args(%scan3A_129 = %scan3A_67) -> (i32)  : i32 {
        %parallel_loop3A = arith.constant 0 : i32
        %parallel_loop3A_130 = arith.constant 64 : i32
        %parallel_loop3A_131 = arith.constant 1 : i32
        scf.for %parallel_loop3A_133 = %parallel_loop3A to %parallel_loop3A_130 step %parallel_loop3A_131  : i32 {
          %parallel_loop3A_134 = arith.constant 16 : i32
          %parallel_loop3A_135 = arith.muli %parallel_loop3A_133, %parallel_loop3A_134 : i32
          %parallel_loop3A_136 = arith.index_cast %scan3A_128 : i32 to index
          %parallel_loop3A_137 = arith.index_cast %parallel_loop3A_135 : i32 to index
          %parallel_loop3A_138 = tpu.vector_load %arg9[%parallel_loop3A_136, %parallel_loop3A_137] {strides = array<i32>} : memref<4x1024xi32, #tpu.memory_space<vmem>>, vector<16xi32>,
          %parallel_loop3A_139 = arith.constant 12 : i32
          %parallel_loop3A_140 = vector.broadcast %parallel_loop3A_139 : i32 to vector<16xi32>
          %parallel_loop3A_141 = arith.shrsi %parallel_loop3A_138, %parallel_loop3A_140 : vector<16xi32>
          %parallel_loop3A_142 = arith.constant 4095 : i32
          %parallel_loop3A_143 = vector.broadcast %parallel_loop3A_142 : i32 to vector<16xi32>
          %parallel_loop3A_144 = arith.andi %parallel_loop3A_138, %parallel_loop3A_143 : vector<16xi32>
          %parallel_loop3A_145 = tpu.vector_load_idx %arg7[%parallel_loop3A_141, %parallel_loop3A_144] : memref<4x4096xf32, #tpu.memory_space<vmem>>[vector<16xi32>, vector<16xi32>], vector<16xf32>,
          %parallel_loop3A_146 = arith.index_cast %scan3A_128 : i32 to index
          %parallel_loop3A_147 = arith.index_cast %parallel_loop3A_135 : i32 to index
          %parallel_loop3A_148 = tpu.vector_load %arg12[%parallel_loop3A_146, %parallel_loop3A_147] {strides = array<i32>} : memref<4x1024xf32, #tpu.memory_space<vmem>>, vector<16xf32>,
          tpu.vector_store %arg12[%parallel_loop3A_146, %parallel_loop3A_147], %parallel_loop3A_145 {strides = array<i32>} : memref<4x1024xf32, #tpu.memory_space<vmem>>, vector<16xf32>,
          %parallel_loop3A_149 = tpu.vector_load_idx %arg11[%parallel_loop3A_141, %parallel_loop3A_144] : memref<4x4096xi32, #tpu.memory_space<vmem>>[vector<16xi32>, vector<16xi32>], vector<16xi32>,
          %parallel_loop3A_150 = arith.index_cast %scan3A_128 : i32 to index
          %parallel_loop3A_151 = arith.index_cast %parallel_loop3A_135 : i32 to index
          %parallel_loop3A_152 = tpu.vector_load %arg14[%parallel_loop3A_150, %parallel_loop3A_151] {strides = array<i32>} : memref<4x1024xi32, #tpu.memory_space<vmem>>, vector<16xi32>,
          tpu.vector_store %arg14[%parallel_loop3A_150, %parallel_loop3A_151], %parallel_loop3A_149 {strides = array<i32>} : memref<4x1024xi32, #tpu.memory_space<vmem>>, vector<16xi32>,
        } {sc.loop_unroll_factor = 8 : i64, sc.parallel_access}
        %scan3A_132 = arith.constant 0 : i32
        scf.yield %scan3A_132 : i32
      }
      %scan3A_73 = arith.constant 4 : i32
      %mul3A_74 = arith.constant 4 : i32
      %mul3A_75 = arith.muli %mul3A_40, %mul3A_74 : i32
      %add3A_76 = arith.addi %mul3A_2, %mul3A_75 : i32
      %dma_start3A_77 = arith.constant 0 : i32
      %dma_start3A_78 = tpu.memref_slice %arg5[%add3A_76, %dma_start3A_77] : memref<4096x1024xf32, #tpu.memory_space<hbm>> -> memref<4x1024xf32, #tpu.memory_space<hbm>>
      %dma_start3A_79 = arith.constant 0 : i32
      %dma_start3A_80 = tpu.memref_slice %arg5[%add3A_76, %dma_start3A_79] : memref<4096x1024xf32, #tpu.memory_space<hbm>> -> memref<4x1024xf32, #tpu.memory_space<hbm>>
      tpu.enqueue_dma source(%arg12 : memref<4x1024xf32, #tpu.memory_space<vmem>>) target(%dma_start3A_80 : memref<4x1024xf32, #tpu.memory_space<hbm>>) target_semaphore(%arg18 : memref<!tpu.dma_semaphore, #tpu.memory_space<semaphore_mem>>)
      %dma_start3A_81 = arith.constant 0 : i32
      %dma_start3A_82 = tpu.memref_slice %arg6[%add3A_76, %dma_start3A_81] : memref<4096x1024xi32, #tpu.memory_space<hbm>> -> memref<4x1024xi32, #tpu.memory_space<hbm>>
      %dma_start3A_83 = arith.constant 0 : i32
      %dma_start3A_84 = tpu.memref_slice %arg6[%add3A_76, %dma_start3A_83] : memref<4096x1024xi32, #tpu.memory_space<hbm>> -> memref<4x1024xi32, #tpu.memory_space<hbm>>
      tpu.enqueue_dma source(%arg14 : memref<4x1024xi32, #tpu.memory_space<vmem>>) target(%dma_start3A_84 : memref<4x1024xi32, #tpu.memory_space<hbm>>) target_semaphore(%arg18 : memref<!tpu.dma_semaphore, #tpu.memory_space<semaphore_mem>>)
      %lt3A = arith.constant 15 : i32
      %lt3A_85 = arith.cmpi slt, %scan3A_37, %lt3A : i32
      %convert_element_type3A_86 = arith.extui %lt3A_85 : i1 to i32
      %cond3A_87 = arith.constant 0 : i32
      %cond3A_88 = arith.cmpi ne, %convert_element_type3A_86, %cond3A_87 : i32
      scf.if %cond3A_88 {
        %add3A_128 = arith.constant 2 : i32
        %add3A_129 = arith.addi %mul3A_40, %add3A_128 : i32
        %mul3A_130 = arith.constant 4 : i32
        %mul3A_131 = arith.muli %add3A_129, %mul3A_130 : i32
        %add3A_132 = arith.addi %mul3A_2, %mul3A_131 : i32
        %dma_start3A_133 = arith.constant 0 : i32
        %dma_start3A_134 = tpu.memref_slice %arg2[%add3A_132, %dma_start3A_133] : memref<4096x4096xf32, #tpu.memory_space<hbm>> -> memref<4x4096xf32, #tpu.memory_space<hbm>>
        %dma_start3A_135 = arith.constant 0 : i32
        %dma_start3A_136 = tpu.memref_slice %arg2[%add3A_132, %dma_start3A_135] : memref<4096x4096xf32, #tpu.memory_space<hbm>> -> memref<4x4096xf32, #tpu.memory_space<hbm>>
        tpu.enqueue_dma source(%dma_start3A_136 : memref<4x4096xf32, #tpu.memory_space<hbm>>) target(%arg7 : memref<4x4096xf32, #tpu.memory_space<vmem>>) target_semaphore(%arg16 : memref<!tpu.dma_semaphore, #tpu.memory_space<semaphore_mem>>)
        %dma_start3A_137 = arith.constant 0 : i32
        %dma_start3A_138 = tpu.memref_slice %arg3[%add3A_132, %dma_start3A_137] : memref<4096x1024xi32, #tpu.memory_space<hbm>> -> memref<4x1024xi32, #tpu.memory_space<hbm>>
        %dma_start3A_139 = arith.constant 0 : i32
        %dma_start3A_140 = tpu.memref_slice %arg3[%add3A_132, %dma_start3A_139] : memref<4096x1024xi32, #tpu.memory_space<hbm>> -> memref<4x1024xi32, #tpu.memory_space<hbm>>
        tpu.enqueue_dma source(%dma_start3A_140 : memref<4x1024xi32, #tpu.memory_space<hbm>>) target(%arg9 : memref<4x1024xi32, #tpu.memory_space<vmem>>) target_semaphore(%arg16 : memref<!tpu.dma_semaphore, #tpu.memory_space<semaphore_mem>>)
      } else {
      }
      %add3A_89 = arith.constant 1 : i32
      %add3A_90 = arith.addi %mul3A_40, %add3A_89 : i32
      %mul3A_91 = arith.constant 4 : i32
      %mul3A_92 = arith.muli %add3A_90, %mul3A_91 : i32
      %add3A_93 = arith.addi %mul3A_2, %mul3A_92 : i32
      %dma_wait3A_94 = arith.constant 0 : i32
      %dma_wait3A_95 = tpu.memref_slice %arg2[%add3A_93, %dma_wait3A_94] : memref<4096x4096xf32, #tpu.memory_space<hbm>> -> memref<4x4096xf32, #tpu.memory_space<hbm>>
      %dma_wait3A_96 = arith.constant 0 : i32
      %dma_wait3A_97 = tpu.memref_slice %arg2[%add3A_93, %dma_wait3A_96] : memref<4096x4096xf32, #tpu.memory_space<hbm>> -> memref<4x4096xf32, #tpu.memory_space<hbm>>
      tpu.wait_dma2 semaphore(%arg17 : memref<!tpu.dma_semaphore, #tpu.memory_space<semaphore_mem>>) src(%dma_wait3A_97 : memref<4x4096xf32, #tpu.memory_space<hbm>>) dst(%arg8 : memref<4x4096xf32, #tpu.memory_space<vmem>>)
      %dma_wait3A_98 = arith.constant 0 : i32
      %dma_wait3A_99 = tpu.memref_slice %arg3[%add3A_93, %dma_wait3A_98] : memref<4096x1024xi32, #tpu.memory_space<hbm>> -> memref<4x1024xi32, #tpu.memory_space<hbm>>
      %dma_wait3A_100 = arith.constant 0 : i32
      %dma_wait3A_101 = tpu.memref_slice %arg3[%add3A_93, %dma_wait3A_100] : memref<4096x1024xi32, #tpu.memory_space<hbm>> -> memref<4x1024xi32, #tpu.memory_space<hbm>>
      tpu.wait_dma2 semaphore(%arg17 : memref<!tpu.dma_semaphore, #tpu.memory_space<semaphore_mem>>) src(%dma_wait3A_101 : memref<4x1024xi32, #tpu.memory_space<hbm>>) dst(%arg10 : memref<4x1024xi32, #tpu.memory_space<vmem>>)
      %gt3A_102 = arith.constant 0 : i32
      %gt3A_103 = arith.cmpi sgt, %scan3A_37, %gt3A_102 : i32
      %convert_element_type3A_104 = arith.extui %gt3A_103 : i1 to i32
      %cond3A_105 = arith.constant 0 : i32
      %cond3A_106 = arith.cmpi ne, %convert_element_type3A_104, %cond3A_105 : i32
      scf.if %cond3A_106 {
        %sub3A = arith.constant 1 : i32
        %sub3A_128 = arith.subi %mul3A_40, %sub3A : i32
        %mul3A_129 = arith.constant 4 : i32
        %mul3A_130 = arith.muli %sub3A_128, %mul3A_129 : i32
        %add3A_131 = arith.addi %mul3A_2, %mul3A_130 : i32
        %dma_wait3A_132 = arith.constant 0 : i32
        %dma_wait3A_133 = tpu.memref_slice %arg5[%add3A_131, %dma_wait3A_132] : memref<4096x1024xf32, #tpu.memory_space<hbm>> -> memref<4x1024xf32, #tpu.memory_space<hbm>>
        %dma_wait3A_134 = arith.constant 0 : i32
        %dma_wait3A_135 = tpu.memref_slice %arg5[%add3A_131, %dma_wait3A_134] : memref<4096x1024xf32, #tpu.memory_space<hbm>> -> memref<4x1024xf32, #tpu.memory_space<hbm>>
        tpu.wait_dma2 semaphore(%arg19 : memref<!tpu.dma_semaphore, #tpu.memory_space<semaphore_mem>>) src(%arg13 : memref<4x1024xf32, #tpu.memory_space<vmem>>) dst(%dma_wait3A_135 : memref<4x1024xf32, #tpu.memory_space<hbm>>)
        %dma_wait3A_136 = arith.constant 0 : i32
        %dma_wait3A_137 = tpu.memref_slice %arg6[%add3A_131, %dma_wait3A_136] : memref<4096x1024xi32, #tpu.memory_space<hbm>> -> memref<4x1024xi32, #tpu.memory_space<hbm>>
        %dma_wait3A_138 = arith.constant 0 : i32
        %dma_wait3A_139 = tpu.memref_slice %arg6[%add3A_131, %dma_wait3A_138] : memref<4096x1024xi32, #tpu.memory_space<hbm>> -> memref<4x1024xi32, #tpu.memory_space<hbm>>
        tpu.wait_dma2 semaphore(%arg19 : memref<!tpu.dma_semaphore, #tpu.memory_space<semaphore_mem>>) src(%arg15 : memref<4x1024xi32, #tpu.memory_space<vmem>>) dst(%dma_wait3A_139 : memref<4x1024xi32, #tpu.memory_space<hbm>>)
      } else {
      }
      %scan3A_107 = arith.constant 0 : i32
      %scan3A_108 = arith.constant 0 : i32
      %scan3A_109 = arith.constant 4 : i32
      %scan3A_110 = arith.addi %scan3A_108, %scan3A_109 : i32
      %scan3A_111 = arith.constant 1 : i32
      %scan3A_112 = scf.for %scan3A_128 = %scan3A_108 to %scan3A_110 step %scan3A_111 iter_args(%scan3A_129 = %scan3A_107) -> (i32)  : i32 {
        %parallel_loop3A = arith.constant 0 : i32
        %parallel_loop3A_130 = arith.constant 64 : i32
        %parallel_loop3A_131 = arith.constant 1 : i32
        scf.for %parallel_loop3A_133 = %parallel_loop3A to %parallel_loop3A_130 step %parallel_loop3A_131  : i32 {
          %parallel_loop3A_134 = arith.constant 16 : i32
          %parallel_loop3A_135 = arith.muli %parallel_loop3A_133, %parallel_loop3A_134 : i32
          %parallel_loop3A_136 = arith.index_cast %scan3A_128 : i32 to index
          %parallel_loop3A_137 = arith.index_cast %parallel_loop3A_135 : i32 to index
          %parallel_loop3A_138 = tpu.vector_load %arg10[%parallel_loop3A_136, %parallel_loop3A_137] {strides = array<i32>} : memref<4x1024xi32, #tpu.memory_space<vmem>>, vector<16xi32>,
          %parallel_loop3A_139 = arith.constant 12 : i32
          %parallel_loop3A_140 = vector.broadcast %parallel_loop3A_139 : i32 to vector<16xi32>
          %parallel_loop3A_141 = arith.shrsi %parallel_loop3A_138, %parallel_loop3A_140 : vector<16xi32>
          %parallel_loop3A_142 = arith.constant 4095 : i32
          %parallel_loop3A_143 = vector.broadcast %parallel_loop3A_142 : i32 to vector<16xi32>
          %parallel_loop3A_144 = arith.andi %parallel_loop3A_138, %parallel_loop3A_143 : vector<16xi32>
          %parallel_loop3A_145 = tpu.vector_load_idx %arg8[%parallel_loop3A_141, %parallel_loop3A_144] : memref<4x4096xf32, #tpu.memory_space<vmem>>[vector<16xi32>, vector<16xi32>], vector<16xf32>,
          %parallel_loop3A_146 = arith.index_cast %scan3A_128 : i32 to index
          %parallel_loop3A_147 = arith.index_cast %parallel_loop3A_135 : i32 to index
          %parallel_loop3A_148 = tpu.vector_load %arg13[%parallel_loop3A_146, %parallel_loop3A_147] {strides = array<i32>} : memref<4x1024xf32, #tpu.memory_space<vmem>>, vector<16xf32>,
          tpu.vector_store %arg13[%parallel_loop3A_146, %parallel_loop3A_147], %parallel_loop3A_145 {strides = array<i32>} : memref<4x1024xf32, #tpu.memory_space<vmem>>, vector<16xf32>,
          %parallel_loop3A_149 = tpu.vector_load_idx %arg11[%parallel_loop3A_141, %parallel_loop3A_144] : memref<4x4096xi32, #tpu.memory_space<vmem>>[vector<16xi32>, vector<16xi32>], vector<16xi32>,
          %parallel_loop3A_150 = arith.index_cast %scan3A_128 : i32 to index
          %parallel_loop3A_151 = arith.index_cast %parallel_loop3A_135 : i32 to index
          %parallel_loop3A_152 = tpu.vector_load %arg15[%parallel_loop3A_150, %parallel_loop3A_151] {strides = array<i32>} : memref<4x1024xi32, #tpu.memory_space<vmem>>, vector<16xi32>,
          tpu.vector_store %arg15[%parallel_loop3A_150, %parallel_loop3A_151], %parallel_loop3A_149 {strides = array<i32>} : memref<4x1024xi32, #tpu.memory_space<vmem>>, vector<16xi32>,
        } {sc.loop_unroll_factor = 8 : i64, sc.parallel_access}
        %scan3A_132 = arith.constant 0 : i32
        scf.yield %scan3A_132 : i32
      }
      %scan3A_113 = arith.constant 4 : i32
      %add3A_114 = arith.constant 1 : i32
      %add3A_115 = arith.addi %mul3A_40, %add3A_114 : i32
      %mul3A_116 = arith.constant 4 : i32
      %mul3A_117 = arith.muli %add3A_115, %mul3A_116 : i32
      %add3A_118 = arith.addi %mul3A_2, %mul3A_117 : i32
      %dma_start3A_119 = arith.constant 0 : i32
      %dma_start3A_120 = tpu.memref_slice %arg5[%add3A_118, %dma_start3A_119] : memref<4096x1024xf32, #tpu.memory_space<hbm>> -> memref<4x1024xf32, #tpu.memory_space<hbm>>
      %dma_start3A_121 = arith.constant 0 : i32
      %dma_start3A_122 = tpu.memref_slice %arg5[%add3A_118, %dma_start3A_121] : memref<4096x1024xf32, #tpu.memory_space<hbm>> -> memref<4x1024xf32, #tpu.memory_space<hbm>>
      tpu.enqueue_dma source(%arg13 : memref<4x1024xf32, #tpu.memory_space<vmem>>) target(%dma_start3A_122 : memref<4x1024xf32, #tpu.memory_space<hbm>>) target_semaphore(%arg19 : memref<!tpu.dma_semaphore, #tpu.memory_space<semaphore_mem>>)
      %dma_start3A_123 = arith.constant 0 : i32
      %dma_start3A_124 = tpu.memref_slice %arg6[%add3A_118, %dma_start3A_123] : memref<4096x1024xi32, #tpu.memory_space<hbm>> -> memref<4x1024xi32, #tpu.memory_space<hbm>>
      %dma_start3A_125 = arith.constant 0 : i32
      %dma_start3A_126 = tpu.memref_slice %arg6[%add3A_118, %dma_start3A_125] : memref<4096x1024xi32, #tpu.memory_space<hbm>> -> memref<4x1024xi32, #tpu.memory_space<hbm>>
      tpu.enqueue_dma source(%arg15 : memref<4x1024xi32, #tpu.memory_space<vmem>>) target(%dma_start3A_126 : memref<4x1024xi32, #tpu.memory_space<hbm>>) target_semaphore(%arg19 : memref<!tpu.dma_semaphore, #tpu.memory_space<semaphore_mem>>)
      %scan3A_127 = arith.constant 0 : i32
      scf.yield %scan3A_127 : i32
    }
    %scan3A_17 = arith.constant 16 : i32
    %add3A_18 = arith.constant 120 : i32
    %add3A_19 = arith.addi %mul3A_2, %add3A_18 : i32
    %dma_wait3A = arith.constant 0 : i32
    %dma_wait3A_20 = tpu.memref_slice %arg5[%add3A_19, %dma_wait3A] : memref<4096x1024xf32, #tpu.memory_space<hbm>> -> memref<4x1024xf32, #tpu.memory_space<hbm>>
    %dma_wait3A_21 = arith.constant 0 : i32
    %dma_wait3A_22 = tpu.memref_slice %arg5[%add3A_19, %dma_wait3A_21] : memref<4096x1024xf32, #tpu.memory_space<hbm>> -> memref<4x1024xf32, #tpu.memory_space<hbm>>
    tpu.wait_dma2 semaphore(%arg18 : memref<!tpu.dma_semaphore, #tpu.memory_space<semaphore_mem>>) src(%arg12 : memref<4x1024xf32, #tpu.memory_space<vmem>>) dst(%dma_wait3A_22 : memref<4x1024xf32, #tpu.memory_space<hbm>>)
    %dma_wait3A_23 = arith.constant 0 : i32
    %dma_wait3A_24 = tpu.memref_slice %arg6[%add3A_19, %dma_wait3A_23] : memref<4096x1024xi32, #tpu.memory_space<hbm>> -> memref<4x1024xi32, #tpu.memory_space<hbm>>
    %dma_wait3A_25 = arith.constant 0 : i32
    %dma_wait3A_26 = tpu.memref_slice %arg6[%add3A_19, %dma_wait3A_25] : memref<4096x1024xi32, #tpu.memory_space<hbm>> -> memref<4x1024xi32, #tpu.memory_space<hbm>>
    tpu.wait_dma2 semaphore(%arg18 : memref<!tpu.dma_semaphore, #tpu.memory_space<semaphore_mem>>) src(%arg14 : memref<4x1024xi32, #tpu.memory_space<vmem>>) dst(%dma_wait3A_26 : memref<4x1024xi32, #tpu.memory_space<hbm>>)
    %add3A_27 = arith.constant 124 : i32
    %add3A_28 = arith.addi %mul3A_2, %add3A_27 : i32
    %dma_wait3A_29 = arith.constant 0 : i32
    %dma_wait3A_30 = tpu.memref_slice %arg5[%add3A_28, %dma_wait3A_29] : memref<4096x1024xf32, #tpu.memory_space<hbm>> -> memref<4x1024xf32, #tpu.memory_space<hbm>>
    %dma_wait3A_31 = arith.constant 0 : i32
    %dma_wait3A_32 = tpu.memref_slice %arg5[%add3A_28, %dma_wait3A_31] : memref<4096x1024xf32, #tpu.memory_space<hbm>> -> memref<4x1024xf32, #tpu.memory_space<hbm>>
    tpu.wait_dma2 semaphore(%arg19 : memref<!tpu.dma_semaphore, #tpu.memory_space<semaphore_mem>>) src(%arg13 : memref<4x1024xf32, #tpu.memory_space<vmem>>) dst(%dma_wait3A_32 : memref<4x1024xf32, #tpu.memory_space<hbm>>)
    %dma_wait3A_33 = arith.constant 0 : i32
    %dma_wait3A_34 = tpu.memref_slice %arg6[%add3A_28, %dma_wait3A_33] : memref<4096x1024xi32, #tpu.memory_space<hbm>> -> memref<4x1024xi32, #tpu.memory_space<hbm>>
    %dma_wait3A_35 = arith.constant 0 : i32
    %dma_wait3A_36 = tpu.memref_slice %arg6[%add3A_28, %dma_wait3A_35] : memref<4096x1024xi32, #tpu.memory_space<hbm>> -> memref<4x1024xi32, #tpu.memory_space<hbm>>
    tpu.wait_dma2 semaphore(%arg19 : memref<!tpu.dma_semaphore, #tpu.memory_space<semaphore_mem>>) src(%arg15 : memref<4x1024xi32, #tpu.memory_space<vmem>>) dst(%dma_wait3A_36 : memref<4x1024xi32, #tpu.memory_space<hbm>>)
    return
  }
}

#map = affine_map<(d0, d1) -> (0, 0)>
module attributes {stable_mosaic.version = 14 : i64} {
  func.func @_sc_body(%arg0: i32, %arg1: i32, %arg2: memref<4096x4096xf32, #tpu.memory_space<hbm>>, %arg3: memref<4096x1024xi32, #tpu.memory_space<hbm>>, %arg4: memref<4x4096xi32, #tpu.memory_space<hbm>>, %arg5: memref<4096x1024xf32, #tpu.memory_space<hbm>>, %arg6: memref<4096x1024xi32, #tpu.memory_space<hbm>>, %arg7: memref<4x4096xf32, #tpu.memory_space<vmem>>, %arg8: memref<4x4096xf32, #tpu.memory_space<vmem>>, %arg9: memref<4x1024xi32, #tpu.memory_space<vmem>>, %arg10: memref<4x1024xi32, #tpu.memory_space<vmem>>, %arg11: memref<4x4096xi32, #tpu.memory_space<vmem>>, %arg12: memref<4x1024xf32, #tpu.memory_space<vmem>>, %arg13: memref<4x1024xf32, #tpu.memory_space<vmem>>, %arg14: memref<4x1024xi32, #tpu.memory_space<vmem>>, %arg15: memref<4x1024xi32, #tpu.memory_space<vmem>>, %arg16: memref<!tpu.dma_semaphore, #tpu.memory_space<semaphore_mem>>, %arg17: memref<!tpu.dma_semaphore, #tpu.memory_space<semaphore_mem>>, %arg18: memref<!tpu.dma_semaphore, #tpu.memory_space<semaphore_mem>>, %arg19: memref<!tpu.dma_semaphore, #tpu.memory_space<semaphore_mem>>) attributes {dimension_semantics = [#tpu.dimension_semantics<core_parallel>, #tpu.dimension_semantics<subcore_parallel>], iteration_bounds = array<i64: 2, 16>, scalar_prefetch = 0 : i64, scratch_operands = 13 : i64, tpu.core_type = #tpu.core_type<sc_vector_subcore>, window_params = [{transform_indices = #map}, {transform_indices = #map}, {transform_indices = #map}, {transform_indices = #map}, {transform_indices = #map}]} {
    %mul3A = arith.constant 2 : i32
    %mul3A_0 = arith.muli %arg1, %mul3A : i32
    %add3A = arith.addi %mul3A_0, %arg0 : i32
    "tpu.region"() ({
      %run_scoped3A = tpu.sem_alloc : memref<!tpu.dma_semaphore, #tpu.memory_space<semaphore_mem>>
      tpu.enqueue_dma source(%arg4 : memref<4x4096xi32, #tpu.memory_space<hbm>>) target(%arg11 : memref<4x4096xi32, #tpu.memory_space<vmem>>) target_semaphore(%run_scoped3A : memref<!tpu.dma_semaphore, #tpu.memory_space<semaphore_mem>>)
      tpu.wait_dma2 semaphore(%run_scoped3A : memref<!tpu.dma_semaphore, #tpu.memory_space<semaphore_mem>>) src(%arg4 : memref<4x4096xi32, #tpu.memory_space<hbm>>) dst(%arg11 : memref<4x4096xi32, #tpu.memory_space<vmem>>)
      tpu.yield
    }) : () -> ()
    %mul3A_1 = arith.constant 128 : i32
    %mul3A_2 = arith.muli %add3A, %mul3A_1 : i32
    %add3A_3 = arith.constant 0 : i32
    %add3A_4 = arith.addi %mul3A_2, %add3A_3 : i32
    %dma_start3A = arith.constant 0 : i32
    %dma_start3A_5 = tpu.memref_slice %arg2[%add3A_4, %dma_start3A] : memref<4096x4096xf32, #tpu.memory_space<hbm>> -> memref<4x4096xf32, #tpu.memory_space<hbm>>
    %dma_start3A_6 = arith.constant 0 : i32
    %dma_start3A_7 = tpu.memref_slice %arg2[%add3A_4, %dma_start3A_6] : memref<4096x4096xf32, #tpu.memory_space<hbm>> -> memref<4x4096xf32, #tpu.memory_space<hbm>>
    tpu.enqueue_dma source(%dma_start3A_7 : memref<4x4096xf32, #tpu.memory_space<hbm>>) target(%arg7 : memref<4x4096xf32, #tpu.memory_space<vmem>>) target_semaphore(%arg16 : memref<!tpu.dma_semaphore, #tpu.memory_space<semaphore_mem>>)
    %dma_start3A_8 = arith.constant 0 : i32
    %dma_start3A_9 = tpu.memref_slice %arg3[%add3A_4, %dma_start3A_8] : memref<4096x1024xi32, #tpu.memory_space<hbm>> -> memref<4x1024xi32, #tpu.memory_space<hbm>>
    %dma_start3A_10 = arith.constant 0 : i32
    %dma_start3A_11 = tpu.memref_slice %arg3[%add3A_4, %dma_start3A_10] : memref<4096x1024xi32, #tpu.memory_space<hbm>> -> memref<4x1024xi32, #tpu.memory_space<hbm>>
    tpu.enqueue_dma source(%dma_start3A_11 : memref<4x1024xi32, #tpu.memory_space<hbm>>) target(%arg9 : memref<4x1024xi32, #tpu.memory_space<vmem>>) target_semaphore(%arg16 : memref<!tpu.dma_semaphore, #tpu.memory_space<semaphore_mem>>)
    %scan3A = arith.constant 0 : i32
    %scan3A_12 = arith.constant 0 : i32
    %scan3A_13 = arith.constant 16 : i32
    %scan3A_14 = arith.addi %scan3A_12, %scan3A_13 : i32
    %scan3A_15 = arith.constant 1 : i32
    %scan3A_16 = scf.for %scan3A_37 = %scan3A_12 to %scan3A_14 step %scan3A_15 iter_args(%scan3A_38 = %scan3A) -> (i32)  : i32 {
      %mul3A_39 = arith.constant 2 : i32
      %mul3A_40 = arith.muli %scan3A_37, %mul3A_39 : i32
      %add3A_41 = arith.constant 1 : i32
      %add3A_42 = arith.addi %mul3A_40, %add3A_41 : i32
      %mul3A_43 = arith.constant 4 : i32
      %mul3A_44 = arith.muli %add3A_42, %mul3A_43 : i32
      %add3A_45 = arith.addi %mul3A_2, %mul3A_44 : i32
      %dma_start3A_46 = arith.constant 0 : i32
      %dma_start3A_47 = tpu.memref_slice %arg2[%add3A_45, %dma_start3A_46] : memref<4096x4096xf32, #tpu.memory_space<hbm>> -> memref<4x4096xf32, #tpu.memory_space<hbm>>
      %dma_start3A_48 = arith.constant 0 : i32
      %dma_start3A_49 = tpu.memref_slice %arg2[%add3A_45, %dma_start3A_48] : memref<4096x4096xf32, #tpu.memory_space<hbm>> -> memref<4x4096xf32, #tpu.memory_space<hbm>>
      tpu.enqueue_dma source(%dma_start3A_49 : memref<4x4096xf32, #tpu.memory_space<hbm>>) target(%arg8 : memref<4x4096xf32, #tpu.memory_space<vmem>>) target_semaphore(%arg17 : memref<!tpu.dma_semaphore, #tpu.memory_space<semaphore_mem>>)
      %dma_start3A_50 = arith.constant 0 : i32
      %dma_start3A_51 = tpu.memref_slice %arg3[%add3A_45, %dma_start3A_50] : memref<4096x1024xi32, #tpu.memory_space<hbm>> -> memref<4x1024xi32, #tpu.memory_space<hbm>>
      %dma_start3A_52 = arith.constant 0 : i32
      %dma_start3A_53 = tpu.memref_slice %arg3[%add3A_45, %dma_start3A_52] : memref<4096x1024xi32, #tpu.memory_space<hbm>> -> memref<4x1024xi32, #tpu.memory_space<hbm>>
      tpu.enqueue_dma source(%dma_start3A_53 : memref<4x1024xi32, #tpu.memory_space<hbm>>) target(%arg10 : memref<4x1024xi32, #tpu.memory_space<vmem>>) target_semaphore(%arg17 : memref<!tpu.dma_semaphore, #tpu.memory_space<semaphore_mem>>)
      %mul3A_54 = arith.constant 4 : i32
      %mul3A_55 = arith.muli %mul3A_40, %mul3A_54 : i32
      %add3A_56 = arith.addi %mul3A_2, %mul3A_55 : i32
      %dma_wait3A_57 = arith.constant 0 : i32
      %dma_wait3A_58 = tpu.memref_slice %arg2[%add3A_56, %dma_wait3A_57] : memref<4096x4096xf32, #tpu.memory_space<hbm>> -> memref<4x4096xf32, #tpu.memory_space<hbm>>
      %dma_wait3A_59 = arith.constant 0 : i32
      %dma_wait3A_60 = tpu.memref_slice %arg2[%add3A_56, %dma_wait3A_59] : memref<4096x4096xf32, #tpu.memory_space<hbm>> -> memref<4x4096xf32, #tpu.memory_space<hbm>>
      tpu.wait_dma2 semaphore(%arg16 : memref<!tpu.dma_semaphore, #tpu.memory_space<semaphore_mem>>) src(%dma_wait3A_60 : memref<4x4096xf32, #tpu.memory_space<hbm>>) dst(%arg7 : memref<4x4096xf32, #tpu.memory_space<vmem>>)
      %dma_wait3A_61 = arith.constant 0 : i32
      %dma_wait3A_62 = tpu.memref_slice %arg3[%add3A_56, %dma_wait3A_61] : memref<4096x1024xi32, #tpu.memory_space<hbm>> -> memref<4x1024xi32, #tpu.memory_space<hbm>>
      %dma_wait3A_63 = arith.constant 0 : i32
      %dma_wait3A_64 = tpu.memref_slice %arg3[%add3A_56, %dma_wait3A_63] : memref<4096x1024xi32, #tpu.memory_space<hbm>> -> memref<4x1024xi32, #tpu.memory_space<hbm>>
      tpu.wait_dma2 semaphore(%arg16 : memref<!tpu.dma_semaphore, #tpu.memory_space<semaphore_mem>>) src(%dma_wait3A_64 : memref<4x1024xi32, #tpu.memory_space<hbm>>) dst(%arg9 : memref<4x1024xi32, #tpu.memory_space<vmem>>)
      %gt3A = arith.constant 0 : i32
      %gt3A_65 = arith.cmpi sgt, %scan3A_37, %gt3A : i32
      %convert_element_type3A = arith.extui %gt3A_65 : i1 to i32
      %cond3A = arith.constant 0 : i32
      %cond3A_66 = arith.cmpi ne, %convert_element_type3A, %cond3A : i32
      scf.if %cond3A_66 {
        %sub3A = arith.constant 2 : i32
        %sub3A_128 = arith.subi %mul3A_40, %sub3A : i32
        %mul3A_129 = arith.constant 4 : i32
        %mul3A_130 = arith.muli %sub3A_128, %mul3A_129 : i32
        %add3A_131 = arith.addi %mul3A_2, %mul3A_130 : i32
        %dma_wait3A_132 = arith.constant 0 : i32
        %dma_wait3A_133 = tpu.memref_slice %arg5[%add3A_131, %dma_wait3A_132] : memref<4096x1024xf32, #tpu.memory_space<hbm>> -> memref<4x1024xf32, #tpu.memory_space<hbm>>
        %dma_wait3A_134 = arith.constant 0 : i32
        %dma_wait3A_135 = tpu.memref_slice %arg5[%add3A_131, %dma_wait3A_134] : memref<4096x1024xf32, #tpu.memory_space<hbm>> -> memref<4x1024xf32, #tpu.memory_space<hbm>>
        tpu.wait_dma2 semaphore(%arg18 : memref<!tpu.dma_semaphore, #tpu.memory_space<semaphore_mem>>) src(%arg12 : memref<4x1024xf32, #tpu.memory_space<vmem>>) dst(%dma_wait3A_135 : memref<4x1024xf32, #tpu.memory_space<hbm>>)
        %dma_wait3A_136 = arith.constant 0 : i32
        %dma_wait3A_137 = tpu.memref_slice %arg6[%add3A_131, %dma_wait3A_136] : memref<4096x1024xi32, #tpu.memory_space<hbm>> -> memref<4x1024xi32, #tpu.memory_space<hbm>>
        %dma_wait3A_138 = arith.constant 0 : i32
        %dma_wait3A_139 = tpu.memref_slice %arg6[%add3A_131, %dma_wait3A_138] : memref<4096x1024xi32, #tpu.memory_space<hbm>> -> memref<4x1024xi32, #tpu.memory_space<hbm>>
        tpu.wait_dma2 semaphore(%arg18 : memref<!tpu.dma_semaphore, #tpu.memory_space<semaphore_mem>>) src(%arg14 : memref<4x1024xi32, #tpu.memory_space<vmem>>) dst(%dma_wait3A_139 : memref<4x1024xi32, #tpu.memory_space<hbm>>)
      } else {
      }
      %scan3A_67 = arith.constant 0 : i32
      %scan3A_68 = arith.constant 0 : i32
      %scan3A_69 = arith.constant 4 : i32
      %scan3A_70 = arith.addi %scan3A_68, %scan3A_69 : i32
      %scan3A_71 = arith.constant 1 : i32
      %scan3A_72 = scf.for %scan3A_128 = %scan3A_68 to %scan3A_70 step %scan3A_71 iter_args(%scan3A_129 = %scan3A_67) -> (i32)  : i32 {
        %parallel_loop3A = arith.constant 0 : i32
        %parallel_loop3A_130 = arith.constant 64 : i32
        %parallel_loop3A_131 = arith.constant 1 : i32
        scf.for %parallel_loop3A_133 = %parallel_loop3A to %parallel_loop3A_130 step %parallel_loop3A_131  : i32 {
          %parallel_loop3A_134 = arith.constant 16 : i32
          %parallel_loop3A_135 = arith.muli %parallel_loop3A_133, %parallel_loop3A_134 : i32
          %parallel_loop3A_136 = arith.index_cast %scan3A_128 : i32 to index
          %parallel_loop3A_137 = arith.index_cast %parallel_loop3A_135 : i32 to index
          %parallel_loop3A_138 = tpu.vector_load %arg9[%parallel_loop3A_136, %parallel_loop3A_137] {strides = array<i32>} : memref<4x1024xi32, #tpu.memory_space<vmem>>, vector<16xi32>,
          %parallel_loop3A_139 = arith.constant 12 : i32
          %parallel_loop3A_140 = vector.broadcast %parallel_loop3A_139 : i32 to vector<16xi32>
          %parallel_loop3A_141 = arith.shrsi %parallel_loop3A_138, %parallel_loop3A_140 : vector<16xi32>
          %parallel_loop3A_142 = arith.constant 4095 : i32
          %parallel_loop3A_143 = vector.broadcast %parallel_loop3A_142 : i32 to vector<16xi32>
          %parallel_loop3A_144 = arith.andi %parallel_loop3A_138, %parallel_loop3A_143 : vector<16xi32>
          %parallel_loop3A_145 = tpu.vector_load_idx %arg7[%parallel_loop3A_141, %parallel_loop3A_144] : memref<4x4096xf32, #tpu.memory_space<vmem>>[vector<16xi32>, vector<16xi32>], vector<16xf32>,
          %parallel_loop3A_146 = arith.index_cast %scan3A_128 : i32 to index
          %parallel_loop3A_147 = arith.index_cast %parallel_loop3A_135 : i32 to index
          %parallel_loop3A_148 = tpu.vector_load %arg12[%parallel_loop3A_146, %parallel_loop3A_147] {strides = array<i32>} : memref<4x1024xf32, #tpu.memory_space<vmem>>, vector<16xf32>,
          tpu.vector_store %arg12[%parallel_loop3A_146, %parallel_loop3A_147], %parallel_loop3A_145 {strides = array<i32>} : memref<4x1024xf32, #tpu.memory_space<vmem>>, vector<16xf32>,
          %parallel_loop3A_149 = tpu.vector_load_idx %arg11[%parallel_loop3A_141, %parallel_loop3A_144] : memref<4x4096xi32, #tpu.memory_space<vmem>>[vector<16xi32>, vector<16xi32>], vector<16xi32>,
          %parallel_loop3A_150 = arith.index_cast %scan3A_128 : i32 to index
          %parallel_loop3A_151 = arith.index_cast %parallel_loop3A_135 : i32 to index
          %parallel_loop3A_152 = tpu.vector_load %arg14[%parallel_loop3A_150, %parallel_loop3A_151] {strides = array<i32>} : memref<4x1024xi32, #tpu.memory_space<vmem>>, vector<16xi32>,
          tpu.vector_store %arg14[%parallel_loop3A_150, %parallel_loop3A_151], %parallel_loop3A_149 {strides = array<i32>} : memref<4x1024xi32, #tpu.memory_space<vmem>>, vector<16xi32>,
        } {sc.loop_unroll_factor = 8 : i64, sc.parallel_access}
        %scan3A_132 = arith.constant 0 : i32
        scf.yield %scan3A_132 : i32
      }
      %scan3A_73 = arith.constant 4 : i32
      %mul3A_74 = arith.constant 4 : i32
      %mul3A_75 = arith.muli %mul3A_40, %mul3A_74 : i32
      %add3A_76 = arith.addi %mul3A_2, %mul3A_75 : i32
      %dma_start3A_77 = arith.constant 0 : i32
      %dma_start3A_78 = tpu.memref_slice %arg5[%add3A_76, %dma_start3A_77] : memref<4096x1024xf32, #tpu.memory_space<hbm>> -> memref<4x1024xf32, #tpu.memory_space<hbm>>
      %dma_start3A_79 = arith.constant 0 : i32
      %dma_start3A_80 = tpu.memref_slice %arg5[%add3A_76, %dma_start3A_79] : memref<4096x1024xf32, #tpu.memory_space<hbm>> -> memref<4x1024xf32, #tpu.memory_space<hbm>>
      tpu.enqueue_dma source(%arg12 : memref<4x1024xf32, #tpu.memory_space<vmem>>) target(%dma_start3A_80 : memref<4x1024xf32, #tpu.memory_space<hbm>>) target_semaphore(%arg18 : memref<!tpu.dma_semaphore, #tpu.memory_space<semaphore_mem>>)
      %dma_start3A_81 = arith.constant 0 : i32
      %dma_start3A_82 = tpu.memref_slice %arg6[%add3A_76, %dma_start3A_81] : memref<4096x1024xi32, #tpu.memory_space<hbm>> -> memref<4x1024xi32, #tpu.memory_space<hbm>>
      %dma_start3A_83 = arith.constant 0 : i32
      %dma_start3A_84 = tpu.memref_slice %arg6[%add3A_76, %dma_start3A_83] : memref<4096x1024xi32, #tpu.memory_space<hbm>> -> memref<4x1024xi32, #tpu.memory_space<hbm>>
      tpu.enqueue_dma source(%arg14 : memref<4x1024xi32, #tpu.memory_space<vmem>>) target(%dma_start3A_84 : memref<4x1024xi32, #tpu.memory_space<hbm>>) target_semaphore(%arg18 : memref<!tpu.dma_semaphore, #tpu.memory_space<semaphore_mem>>)
      %lt3A = arith.constant 15 : i32
      %lt3A_85 = arith.cmpi slt, %scan3A_37, %lt3A : i32
      %convert_element_type3A_86 = arith.extui %lt3A_85 : i1 to i32
      %cond3A_87 = arith.constant 0 : i32
      %cond3A_88 = arith.cmpi ne, %convert_element_type3A_86, %cond3A_87 : i32
      scf.if %cond3A_88 {
        %add3A_128 = arith.constant 2 : i32
        %add3A_129 = arith.addi %mul3A_40, %add3A_128 : i32
        %mul3A_130 = arith.constant 4 : i32
        %mul3A_131 = arith.muli %add3A_129, %mul3A_130 : i32
        %add3A_132 = arith.addi %mul3A_2, %mul3A_131 : i32
        %dma_start3A_133 = arith.constant 0 : i32
        %dma_start3A_134 = tpu.memref_slice %arg2[%add3A_132, %dma_start3A_133] : memref<4096x4096xf32, #tpu.memory_space<hbm>> -> memref<4x4096xf32, #tpu.memory_space<hbm>>
        %dma_start3A_135 = arith.constant 0 : i32
        %dma_start3A_136 = tpu.memref_slice %arg2[%add3A_132, %dma_start3A_135] : memref<4096x4096xf32, #tpu.memory_space<hbm>> -> memref<4x4096xf32, #tpu.memory_space<hbm>>
        tpu.enqueue_dma source(%dma_start3A_136 : memref<4x4096xf32, #tpu.memory_space<hbm>>) target(%arg7 : memref<4x4096xf32, #tpu.memory_space<vmem>>) target_semaphore(%arg16 : memref<!tpu.dma_semaphore, #tpu.memory_space<semaphore_mem>>)
        %dma_start3A_137 = arith.constant 0 : i32
        %dma_start3A_138 = tpu.memref_slice %arg3[%add3A_132, %dma_start3A_137] : memref<4096x1024xi32, #tpu.memory_space<hbm>> -> memref<4x1024xi32, #tpu.memory_space<hbm>>
        %dma_start3A_139 = arith.constant 0 : i32
        %dma_start3A_140 = tpu.memref_slice %arg3[%add3A_132, %dma_start3A_139] : memref<4096x1024xi32, #tpu.memory_space<hbm>> -> memref<4x1024xi32, #tpu.memory_space<hbm>>
        tpu.enqueue_dma source(%dma_start3A_140 : memref<4x1024xi32, #tpu.memory_space<hbm>>) target(%arg9 : memref<4x1024xi32, #tpu.memory_space<vmem>>) target_semaphore(%arg16 : memref<!tpu.dma_semaphore, #tpu.memory_space<semaphore_mem>>)
      } else {
      }
      %add3A_89 = arith.constant 1 : i32
      %add3A_90 = arith.addi %mul3A_40, %add3A_89 : i32
      %mul3A_91 = arith.constant 4 : i32
      %mul3A_92 = arith.muli %add3A_90, %mul3A_91 : i32
      %add3A_93 = arith.addi %mul3A_2, %mul3A_92 : i32
      %dma_wait3A_94 = arith.constant 0 : i32
      %dma_wait3A_95 = tpu.memref_slice %arg2[%add3A_93, %dma_wait3A_94] : memref<4096x4096xf32, #tpu.memory_space<hbm>> -> memref<4x4096xf32, #tpu.memory_space<hbm>>
      %dma_wait3A_96 = arith.constant 0 : i32
      %dma_wait3A_97 = tpu.memref_slice %arg2[%add3A_93, %dma_wait3A_96] : memref<4096x4096xf32, #tpu.memory_space<hbm>> -> memref<4x4096xf32, #tpu.memory_space<hbm>>
      tpu.wait_dma2 semaphore(%arg17 : memref<!tpu.dma_semaphore, #tpu.memory_space<semaphore_mem>>) src(%dma_wait3A_97 : memref<4x4096xf32, #tpu.memory_space<hbm>>) dst(%arg8 : memref<4x4096xf32, #tpu.memory_space<vmem>>)
      %dma_wait3A_98 = arith.constant 0 : i32
      %dma_wait3A_99 = tpu.memref_slice %arg3[%add3A_93, %dma_wait3A_98] : memref<4096x1024xi32, #tpu.memory_space<hbm>> -> memref<4x1024xi32, #tpu.memory_space<hbm>>
      %dma_wait3A_100 = arith.constant 0 : i32
      %dma_wait3A_101 = tpu.memref_slice %arg3[%add3A_93, %dma_wait3A_100] : memref<4096x1024xi32, #tpu.memory_space<hbm>> -> memref<4x1024xi32, #tpu.memory_space<hbm>>
      tpu.wait_dma2 semaphore(%arg17 : memref<!tpu.dma_semaphore, #tpu.memory_space<semaphore_mem>>) src(%dma_wait3A_101 : memref<4x1024xi32, #tpu.memory_space<hbm>>) dst(%arg10 : memref<4x1024xi32, #tpu.memory_space<vmem>>)
      %gt3A_102 = arith.constant 0 : i32
      %gt3A_103 = arith.cmpi sgt, %scan3A_37, %gt3A_102 : i32
      %convert_element_type3A_104 = arith.extui %gt3A_103 : i1 to i32
      %cond3A_105 = arith.constant 0 : i32
      %cond3A_106 = arith.cmpi ne, %convert_element_type3A_104, %cond3A_105 : i32
      scf.if %cond3A_106 {
        %sub3A = arith.constant 1 : i32
        %sub3A_128 = arith.subi %mul3A_40, %sub3A : i32
        %mul3A_129 = arith.constant 4 : i32
        %mul3A_130 = arith.muli %sub3A_128, %mul3A_129 : i32
        %add3A_131 = arith.addi %mul3A_2, %mul3A_130 : i32
        %dma_wait3A_132 = arith.constant 0 : i32
        %dma_wait3A_133 = tpu.memref_slice %arg5[%add3A_131, %dma_wait3A_132] : memref<4096x1024xf32, #tpu.memory_space<hbm>> -> memref<4x1024xf32, #tpu.memory_space<hbm>>
        %dma_wait3A_134 = arith.constant 0 : i32
        %dma_wait3A_135 = tpu.memref_slice %arg5[%add3A_131, %dma_wait3A_134] : memref<4096x1024xf32, #tpu.memory_space<hbm>> -> memref<4x1024xf32, #tpu.memory_space<hbm>>
        tpu.wait_dma2 semaphore(%arg19 : memref<!tpu.dma_semaphore, #tpu.memory_space<semaphore_mem>>) src(%arg13 : memref<4x1024xf32, #tpu.memory_space<vmem>>) dst(%dma_wait3A_135 : memref<4x1024xf32, #tpu.memory_space<hbm>>)
        %dma_wait3A_136 = arith.constant 0 : i32
        %dma_wait3A_137 = tpu.memref_slice %arg6[%add3A_131, %dma_wait3A_136] : memref<4096x1024xi32, #tpu.memory_space<hbm>> -> memref<4x1024xi32, #tpu.memory_space<hbm>>
        %dma_wait3A_138 = arith.constant 0 : i32
        %dma_wait3A_139 = tpu.memref_slice %arg6[%add3A_131, %dma_wait3A_138] : memref<4096x1024xi32, #tpu.memory_space<hbm>> -> memref<4x1024xi32, #tpu.memory_space<hbm>>
        tpu.wait_dma2 semaphore(%arg19 : memref<!tpu.dma_semaphore, #tpu.memory_space<semaphore_mem>>) src(%arg15 : memref<4x1024xi32, #tpu.memory_space<vmem>>) dst(%dma_wait3A_139 : memref<4x1024xi32, #tpu.memory_space<hbm>>)
      } else {
      }
      %scan3A_107 = arith.constant 0 : i32
      %scan3A_108 = arith.constant 0 : i32
      %scan3A_109 = arith.constant 4 : i32
      %scan3A_110 = arith.addi %scan3A_108, %scan3A_109 : i32
      %scan3A_111 = arith.constant 1 : i32
      %scan3A_112 = scf.for %scan3A_128 = %scan3A_108 to %scan3A_110 step %scan3A_111 iter_args(%scan3A_129 = %scan3A_107) -> (i32)  : i32 {
        %parallel_loop3A = arith.constant 0 : i32
        %parallel_loop3A_130 = arith.constant 64 : i32
        %parallel_loop3A_131 = arith.constant 1 : i32
        scf.for %parallel_loop3A_133 = %parallel_loop3A to %parallel_loop3A_130 step %parallel_loop3A_131  : i32 {
          %parallel_loop3A_134 = arith.constant 16 : i32
          %parallel_loop3A_135 = arith.muli %parallel_loop3A_133, %parallel_loop3A_134 : i32
          %parallel_loop3A_136 = arith.index_cast %scan3A_128 : i32 to index
          %parallel_loop3A_137 = arith.index_cast %parallel_loop3A_135 : i32 to index
          %parallel_loop3A_138 = tpu.vector_load %arg10[%parallel_loop3A_136, %parallel_loop3A_137] {strides = array<i32>} : memref<4x1024xi32, #tpu.memory_space<vmem>>, vector<16xi32>,
          %parallel_loop3A_139 = arith.constant 12 : i32
          %parallel_loop3A_140 = vector.broadcast %parallel_loop3A_139 : i32 to vector<16xi32>
          %parallel_loop3A_141 = arith.shrsi %parallel_loop3A_138, %parallel_loop3A_140 : vector<16xi32>
          %parallel_loop3A_142 = arith.constant 4095 : i32
          %parallel_loop3A_143 = vector.broadcast %parallel_loop3A_142 : i32 to vector<16xi32>
          %parallel_loop3A_144 = arith.andi %parallel_loop3A_138, %parallel_loop3A_143 : vector<16xi32>
          %parallel_loop3A_145 = tpu.vector_load_idx %arg8[%parallel_loop3A_141, %parallel_loop3A_144] : memref<4x4096xf32, #tpu.memory_space<vmem>>[vector<16xi32>, vector<16xi32>], vector<16xf32>,
          %parallel_loop3A_146 = arith.index_cast %scan3A_128 : i32 to index
          %parallel_loop3A_147 = arith.index_cast %parallel_loop3A_135 : i32 to index
          %parallel_loop3A_148 = tpu.vector_load %arg13[%parallel_loop3A_146, %parallel_loop3A_147] {strides = array<i32>} : memref<4x1024xf32, #tpu.memory_space<vmem>>, vector<16xf32>,
          tpu.vector_store %arg13[%parallel_loop3A_146, %parallel_loop3A_147], %parallel_loop3A_145 {strides = array<i32>} : memref<4x1024xf32, #tpu.memory_space<vmem>>, vector<16xf32>,
          %parallel_loop3A_149 = tpu.vector_load_idx %arg11[%parallel_loop3A_141, %parallel_loop3A_144] : memref<4x4096xi32, #tpu.memory_space<vmem>>[vector<16xi32>, vector<16xi32>], vector<16xi32>,
          %parallel_loop3A_150 = arith.index_cast %scan3A_128 : i32 to index
          %parallel_loop3A_151 = arith.index_cast %parallel_loop3A_135 : i32 to index
          %parallel_loop3A_152 = tpu.vector_load %arg15[%parallel_loop3A_150, %parallel_loop3A_151] {strides = array<i32>} : memref<4x1024xi32, #tpu.memory_space<vmem>>, vector<16xi32>,
          tpu.vector_store %arg15[%parallel_loop3A_150, %parallel_loop3A_151], %parallel_loop3A_149 {strides = array<i32>} : memref<4x1024xi32, #tpu.memory_space<vmem>>, vector<16xi32>,
        } {sc.loop_unroll_factor = 8 : i64, sc.parallel_access}
        %scan3A_132 = arith.constant 0 : i32
        scf.yield %scan3A_132 : i32
      }
      %scan3A_113 = arith.constant 4 : i32
      %add3A_114 = arith.constant 1 : i32
      %add3A_115 = arith.addi %mul3A_40, %add3A_114 : i32
      %mul3A_116 = arith.constant 4 : i32
      %mul3A_117 = arith.muli %add3A_115, %mul3A_116 : i32
      %add3A_118 = arith.addi %mul3A_2, %mul3A_117 : i32
      %dma_start3A_119 = arith.constant 0 : i32
      %dma_start3A_120 = tpu.memref_slice %arg5[%add3A_118, %dma_start3A_119] : memref<4096x1024xf32, #tpu.memory_space<hbm>> -> memref<4x1024xf32, #tpu.memory_space<hbm>>
      %dma_start3A_121 = arith.constant 0 : i32
      %dma_start3A_122 = tpu.memref_slice %arg5[%add3A_118, %dma_start3A_121] : memref<4096x1024xf32, #tpu.memory_space<hbm>> -> memref<4x1024xf32, #tpu.memory_space<hbm>>
      tpu.enqueue_dma source(%arg13 : memref<4x1024xf32, #tpu.memory_space<vmem>>) target(%dma_start3A_122 : memref<4x1024xf32, #tpu.memory_space<hbm>>) target_semaphore(%arg19 : memref<!tpu.dma_semaphore, #tpu.memory_space<semaphore_mem>>)
      %dma_start3A_123 = arith.constant 0 : i32
      %dma_start3A_124 = tpu.memref_slice %arg6[%add3A_118, %dma_start3A_123] : memref<4096x1024xi32, #tpu.memory_space<hbm>> -> memref<4x1024xi32, #tpu.memory_space<hbm>>
      %dma_start3A_125 = arith.constant 0 : i32
      %dma_start3A_126 = tpu.memref_slice %arg6[%add3A_118, %dma_start3A_125] : memref<4096x1024xi32, #tpu.memory_space<hbm>> -> memref<4x1024xi32, #tpu.memory_space<hbm>>
      tpu.enqueue_dma source(%arg15 : memref<4x1024xi32, #tpu.memory_space<vmem>>) target(%dma_start3A_126 : memref<4x1024xi32, #tpu.memory_space<hbm>>) target_semaphore(%arg19 : memref<!tpu.dma_semaphore, #tpu.memory_space<semaphore_mem>>)
      %scan3A_127 = arith.constant 0 : i32
      scf.yield %scan3A_127 : i32
    }
    %scan3A_17 = arith.constant 16 : i32
    %add3A_18 = arith.constant 120 : i32
    %add3A_19 = arith.addi %mul3A_2, %add3A_18 : i32
    %dma_wait3A = arith.constant 0 : i32
    %dma_wait3A_20 = tpu.memref_slice %arg5[%add3A_19, %dma_wait3A] : memref<4096x1024xf32, #tpu.memory_space<hbm>> -> memref<4x1024xf32, #tpu.memory_space<hbm>>
    %dma_wait3A_21 = arith.constant 0 : i32
    %dma_wait3A_22 = tpu.memref_slice %arg5[%add3A_19, %dma_wait3A_21] : memref<4096x1024xf32, #tpu.memory_space<hbm>> -> memref<4x1024xf32, #tpu.memory_space<hbm>>
    tpu.wait_dma2 semaphore(%arg18 : memref<!tpu.dma_semaphore, #tpu.memory_space<semaphore_mem>>) src(%arg12 : memref<4x1024xf32, #tpu.memory_space<vmem>>) dst(%dma_wait3A_22 : memref<4x1024xf32, #tpu.memory_space<hbm>>)
    %dma_wait3A_23 = arith.constant 0 : i32
    %dma_wait3A_24 = tpu.memref_slice %arg6[%add3A_19, %dma_wait3A_23] : memref<4096x1024xi32, #tpu.memory_space<hbm>> -> memref<4x1024xi32, #tpu.memory_space<hbm>>
    %dma_wait3A_25 = arith.constant 0 : i32
    %dma_wait3A_26 = tpu.memref_slice %arg6[%add3A_19, %dma_wait3A_25] : memref<4096x1024xi32, #tpu.memory_space<hbm>> -> memref<4x1024xi32, #tpu.memory_space<hbm>>
    tpu.wait_dma2 semaphore(%arg18 : memref<!tpu.dma_semaphore, #tpu.memory_space<semaphore_mem>>) src(%arg14 : memref<4x1024xi32, #tpu.memory_space<vmem>>) dst(%dma_wait3A_26 : memref<4x1024xi32, #tpu.memory_space<hbm>>)
    %add3A_27 = arith.constant 124 : i32
    %add3A_28 = arith.addi %mul3A_2, %add3A_27 : i32
    %dma_wait3A_29 = arith.constant 0 : i32
    %dma_wait3A_30 = tpu.memref_slice %arg5[%add3A_28, %dma_wait3A_29] : memref<4096x1024xf32, #tpu.memory_space<hbm>> -> memref<4x1024xf32, #tpu.memory_space<hbm>>
    %dma_wait3A_31 = arith.constant 0 : i32
    %dma_wait3A_32 = tpu.memref_slice %arg5[%add3A_28, %dma_wait3A_31] : memref<4096x1024xf32, #tpu.memory_space<hbm>> -> memref<4x1024xf32, #tpu.memory_space<hbm>>
    tpu.wait_dma2 semaphore(%arg19 : memref<!tpu.dma_semaphore, #tpu.memory_space<semaphore_mem>>) src(%arg13 : memref<4x1024xf32, #tpu.memory_space<vmem>>) dst(%dma_wait3A_32 : memref<4x1024xf32, #tpu.memory_space<hbm>>)
    %dma_wait3A_33 = arith.constant 0 : i32
    %dma_wait3A_34 = tpu.memref_slice %arg6[%add3A_28, %dma_wait3A_33] : memref<4096x1024xi32, #tpu.memory_space<hbm>> -> memref<4x1024xi32, #tpu.memory_space<hbm>>
    %dma_wait3A_35 = arith.constant 0 : i32
    %dma_wait3A_36 = tpu.memref_slice %arg6[%add3A_28, %dma_wait3A_35] : memref<4096x1024xi32, #tpu.memory_space<hbm>> -> memref<4x1024xi32, #tpu.memory_space<hbm>>
    tpu.wait_dma2 semaphore(%arg19 : memref<!tpu.dma_semaphore, #tpu.memory_space<semaphore_mem>>) src(%arg15 : memref<4x1024xi32, #tpu.memory_space<vmem>>) dst(%dma_wait3A_36 : memref<4x1024xi32, #tpu.memory_space<hbm>>)
    return
  }
}

module attributes {stable_mosaic.version = 14 : i64} {
  func.func @_proj_body(%arg0: i32, %arg1: i32, %arg2: memref<1x256x2048xf32, #tpu.memory_space<vmem>>, %arg3: memref<32x256xf32, #tpu.memory_space<vmem>>, %arg4: memref<32x256xf32, #tpu.memory_space<vmem>>, %arg5: memref<1x32xf32, #tpu.memory_space<vmem>>, %arg6: memref<32x1xf32, #tpu.memory_space<vmem>>, %arg7: memref<1x2048x32xf32, #tpu.memory_space<vmem>>, %arg8: memref<1x32x2048xf32, #tpu.memory_space<vmem>>) attributes {dimension_semantics = [#tpu.dimension_semantics<arbitrary>, #tpu.dimension_semantics<arbitrary>], iteration_bounds = array<i64: 2, 2>, scalar_prefetch = 0 : i64, scratch_operands = 0 : i64, tpu.core_type = #tpu.core_type<tc>, window_params = [{transform_indices = @transform_0, window_bounds = array<i64: 1, 256, 2048>}, {pipeline_mode = #tpu.pipeline_mode<synchronous>, transform_indices = @transform_1, window_bounds = array<i64: 32, 256>}, {pipeline_mode = #tpu.pipeline_mode<synchronous>, transform_indices = @transform_2, window_bounds = array<i64: 32, 256>}, {pipeline_mode = #tpu.pipeline_mode<synchronous>, transform_indices = @transform_3, window_bounds = array<i64: 1, 32>}, {pipeline_mode = #tpu.pipeline_mode<synchronous>, transform_indices = @transform_4, window_bounds = array<i64: 32, 1>}, {transform_indices = @transform_5, window_bounds = array<i64: 1, 2048, 32>}, {transform_indices = @transform_6, window_bounds = array<i64: 1, 32, 2048>}]} {
    %get3A = arith.constant 0 : index
    %get3A_0 = arith.constant 0 : index
    %get3A_1 = arith.constant 0 : index
    %get3A_2 = vector.load %arg2[%get3A, %get3A_0, %get3A_1] : memref<1x256x2048xf32, #tpu.memory_space<vmem>>, vector<1x256x2048xf32>
    %get3A_3 = vector.shape_cast %get3A_2 : vector<1x256x2048xf32> to vector<256x2048xf32>
    %get3A_4 = arith.constant 0 : index
    %get3A_5 = arith.constant 0 : index
    %get3A_6 = vector.load %arg3[%get3A_4, %get3A_5] : memref<32x256xf32, #tpu.memory_space<vmem>>, vector<32x256xf32>
    %dot_general3A = arith.constant dense<0.000000e+00> : vector<2048x32xf32>
    %dot_general3A_7 = tpu.matmul %get3A_3, %get3A_6, %dot_general3A {dimension_numbers = #tpu.dot_dimension_numbers<[0], [1], [1], [0], [0, 1, 1, 0], [], []>, precision = #tpu.contract_precision<fp32>, transpose_lhs_hint = false} : vector<256x2048xf32>, vector<32x256xf32>, vector<2048x32xf32> -> vector<2048x32xf32>
    %get3A_8 = arith.constant 0 : index
    %get3A_9 = arith.constant 0 : index
    %get3A_10 = vector.load %arg5[%get3A_8, %get3A_9] : memref<1x32xf32, #tpu.memory_space<vmem>>, vector<1x32xf32>
    %add3A = vector.broadcast %get3A_10 : vector<1x32xf32> to vector<2048x32xf32>
    %add3A_11 = arith.addf %dot_general3A_7, %add3A : vector<2048x32xf32>
    %swap3A = arith.constant 0 : index
    %swap3A_12 = arith.constant 0 : index
    %swap3A_13 = arith.constant 0 : index
    %swap3A_14 = vector.load %arg7[%swap3A, %swap3A_12, %swap3A_13] : memref<1x2048x32xf32, #tpu.memory_space<vmem>>, vector<1x2048x32xf32>
    %swap3A_15 = vector.shape_cast %swap3A_14 : vector<1x2048x32xf32> to vector<2048x32xf32>
    %swap3A_16 = vector.shape_cast %add3A_11 : vector<2048x32xf32> to vector<1x2048x32xf32>
    tpu.vector_store %arg7[%swap3A, %swap3A_12, %swap3A_13], %swap3A_16 {strides = array<i32>} : memref<1x2048x32xf32, #tpu.memory_space<vmem>>, vector<1x2048x32xf32>,
    %get3A_17 = arith.constant 0 : index
    %get3A_18 = arith.constant 0 : index
    %get3A_19 = vector.load %arg4[%get3A_17, %get3A_18] : memref<32x256xf32, #tpu.memory_space<vmem>>, vector<32x256xf32>
    %dot_general3A_20 = arith.constant dense<0.000000e+00> : vector<32x2048xf32>
    %dot_general3A_21 = tpu.matmul %get3A_19, %get3A_3, %dot_general3A_20 {dimension_numbers = #tpu.dot_dimension_numbers<[1], [0], [0], [1], [0, 0, 1, 1], [], []>, precision = #tpu.contract_precision<fp32>, transpose_lhs_hint = false} : vector<32x256xf32>, vector<256x2048xf32>, vector<32x2048xf32> -> vector<32x2048xf32>
    %get3A_22 = arith.constant 0 : index
    %get3A_23 = arith.constant 0 : index
    %get3A_24 = vector.load %arg6[%get3A_22, %get3A_23] : memref<32x1xf32, #tpu.memory_space<vmem>>, vector<32x1xf32>
    %add3A_25 = vector.broadcast %get3A_24 : vector<32x1xf32> to vector<32x2048xf32>
    %add3A_26 = arith.addf %dot_general3A_21, %add3A_25 : vector<32x2048xf32>
    %swap3A_27 = arith.constant 0 : index
    %swap3A_28 = arith.constant 0 : index
    %swap3A_29 = arith.constant 0 : index
    %swap3A_30 = vector.load %arg8[%swap3A_27, %swap3A_28, %swap3A_29] : memref<1x32x2048xf32, #tpu.memory_space<vmem>>, vector<1x32x2048xf32>
    %swap3A_31 = vector.shape_cast %swap3A_30 : vector<1x32x2048xf32> to vector<32x2048xf32>
    %swap3A_32 = vector.shape_cast %add3A_26 : vector<32x2048xf32> to vector<1x32x2048xf32>
    tpu.vector_store %arg8[%swap3A_27, %swap3A_28, %swap3A_29], %swap3A_32 {strides = array<i32>} : memref<1x32x2048xf32, #tpu.memory_space<vmem>>, vector<1x32x2048xf32>,
    return
  }
  func.func @transform_0(%arg0: i32, %arg1: i32) -> (i32, i32, i32) {
    %c0_i32 = arith.constant 0 : i32
    %c0_i32_0 = arith.constant 0 : i32
    return %arg0, %c0_i32, %arg1 : i32, i32, i32
  }
  func.func @transform_1(%arg0: i32, %arg1: i32) -> (i32, i32) {
    %c0_i32 = arith.constant 0 : i32
    %c0_i32_0 = arith.constant 0 : i32
    %c0_i32_1 = arith.constant 0 : i32
    return %c0_i32, %c0_i32_0 : i32, i32
  }
  func.func @transform_2(%arg0: i32, %arg1: i32) -> (i32, i32) {
    %c0_i32 = arith.constant 0 : i32
    %c0_i32_0 = arith.constant 0 : i32
    %c0_i32_1 = arith.constant 0 : i32
    return %c0_i32, %c0_i32_0 : i32, i32
  }
  func.func @transform_3(%arg0: i32, %arg1: i32) -> (i32, i32) {
    %c0_i32 = arith.constant 0 : i32
    %c0_i32_0 = arith.constant 0 : i32
    %c0_i32_1 = arith.constant 0 : i32
    return %c0_i32, %c0_i32_0 : i32, i32
  }
  func.func @transform_4(%arg0: i32, %arg1: i32) -> (i32, i32) {
    %c0_i32 = arith.constant 0 : i32
    %c0_i32_0 = arith.constant 0 : i32
    %c0_i32_1 = arith.constant 0 : i32
    return %c0_i32, %c0_i32_0 : i32, i32
  }
  func.func @transform_5(%arg0: i32, %arg1: i32) -> (i32, i32, i32) {
    %c0_i32 = arith.constant 0 : i32
    %c0_i32_0 = arith.constant 0 : i32
    return %arg0, %arg1, %c0_i32 : i32, i32, i32
  }
  func.func @transform_6(%arg0: i32, %arg1: i32) -> (i32, i32, i32) {
    %c0_i32 = arith.constant 0 : i32
    %c0_i32_0 = arith.constant 0 : i32
    return %arg0, %c0_i32, %arg1 : i32, i32, i32
  }
}

module attributes {stable_mosaic.version = 14 : i64} {
  func.func @_aff_body(%arg0: i32, %arg1: i32, %arg2: memref<1x512x32xf32, #tpu.memory_space<vmem>>, %arg3: memref<1x32x2048xf32, #tpu.memory_space<vmem>>, %arg4: memref<1x512x2048xf32, #tpu.memory_space<vmem>>) attributes {dimension_semantics = [#tpu.dimension_semantics<arbitrary>, #tpu.dimension_semantics<arbitrary>], iteration_bounds = array<i64: 8, 2>, scalar_prefetch = 0 : i64, scratch_operands = 0 : i64, tpu.core_type = #tpu.core_type<tc>, window_params = [{transform_indices = @transform_0, window_bounds = array<i64: 1, 512, 32>}, {transform_indices = @transform_1, window_bounds = array<i64: 1, 32, 2048>}, {transform_indices = @transform_2, window_bounds = array<i64: 1, 512, 2048>}]} {
    %get3A = arith.constant 0 : index
    %get3A_0 = arith.constant 0 : index
    %get3A_1 = arith.constant 0 : index
    %get3A_2 = vector.load %arg2[%get3A, %get3A_0, %get3A_1] : memref<1x512x32xf32, #tpu.memory_space<vmem>>, vector<1x512x32xf32>
    %get3A_3 = vector.shape_cast %get3A_2 : vector<1x512x32xf32> to vector<512x32xf32>
    %get3A_4 = arith.constant 0 : index
    %get3A_5 = arith.constant 0 : index
    %get3A_6 = arith.constant 0 : index
    %get3A_7 = vector.load %arg3[%get3A_4, %get3A_5, %get3A_6] : memref<1x32x2048xf32, #tpu.memory_space<vmem>>, vector<1x32x2048xf32>
    %get3A_8 = vector.shape_cast %get3A_7 : vector<1x32x2048xf32> to vector<32x2048xf32>
    %dot_general3A = arith.constant dense<0.000000e+00> : vector<512x2048xf32>
    %dot_general3A_9 = tpu.matmul %get3A_3, %get3A_8, %dot_general3A {dimension_numbers = #tpu.dot_dimension_numbers<[1], [0], [0], [1], [0, 0, 1, 1], [], []>, transpose_lhs_hint = false} : vector<512x32xf32>, vector<32x2048xf32>, vector<512x2048xf32> -> vector<512x2048xf32>
    %mul3A = arith.constant 0.176776692 : f32
    %mul3A_10 = vector.broadcast %mul3A : f32 to vector<512x2048xf32>
    %mul3A_11 = arith.mulf %dot_general3A_9, %mul3A_10 : vector<512x2048xf32>
    %swap3A = arith.constant 0 : index
    %swap3A_12 = arith.constant 0 : index
    %swap3A_13 = arith.constant 0 : index
    %swap3A_14 = vector.load %arg4[%swap3A, %swap3A_12, %swap3A_13] : memref<1x512x2048xf32, #tpu.memory_space<vmem>>, vector<1x512x2048xf32>
    %swap3A_15 = vector.shape_cast %swap3A_14 : vector<1x512x2048xf32> to vector<512x2048xf32>
    %swap3A_16 = vector.shape_cast %mul3A_11 : vector<512x2048xf32> to vector<1x512x2048xf32>
    tpu.vector_store %arg4[%swap3A, %swap3A_12, %swap3A_13], %swap3A_16 {strides = array<i32>} : memref<1x512x2048xf32, #tpu.memory_space<vmem>>, vector<1x512x2048xf32>,
    return
  }
  func.func @transform_0(%arg0: i32, %arg1: i32) -> (i32, i32, i32) {
    %c0_i32 = arith.constant 0 : i32
    %c0_i32_0 = arith.constant 0 : i32
    %c0_i32_1 = arith.constant 0 : i32
    return %c0_i32, %arg0, %c0_i32_0 : i32, i32, i32
  }
  func.func @transform_1(%arg0: i32, %arg1: i32) -> (i32, i32, i32) {
    %c0_i32 = arith.constant 0 : i32
    %c0_i32_0 = arith.constant 0 : i32
    %c0_i32_1 = arith.constant 0 : i32
    return %c0_i32, %c0_i32_0, %arg1 : i32, i32, i32
  }
  func.func @transform_2(%arg0: i32, %arg1: i32) -> (i32, i32, i32) {
    %c0_i32 = arith.constant 0 : i32
    %c0_i32_0 = arith.constant 0 : i32
    return %c0_i32, %arg0, %arg1 : i32, i32, i32
  }
}

module attributes {stable_mosaic.version = 14 : i64} {
  func.func @_idx_body(%arg0: i32, %arg1: memref<2048x625xi32, #tpu.memory_space<vmem>>, %arg2: memref<1x2048x399xi32, #tpu.memory_space<vmem>>, %arg3: memref<2048x1024xi32, #tpu.memory_space<vmem>>) attributes {dimension_semantics = [#tpu.dimension_semantics<arbitrary>], iteration_bounds = array<i64: 2>, scalar_prefetch = 0 : i64, scratch_operands = 0 : i64, tpu.core_type = #tpu.core_type<tc>, window_params = [{transform_indices = @transform_0, window_bounds = array<i64: 2048, 625>}, {transform_indices = @transform_1, window_bounds = array<i64: 1, 2048, 399>}, {transform_indices = @transform_2, window_bounds = array<i64: 2048, 1024>}]} {
    %iota3A = tpu.iota {dimensions = array<i32: 0>} : vector<2048x399xi32>
    %get3A = arith.constant 0 : index
    %get3A_0 = arith.constant 0 : index
    %get3A_1 = vector.load %arg1[%get3A, %get3A_0] : memref<2048x625xi32, #tpu.memory_space<vmem>>, vector<2048x625xi32>
    %swap3A = arith.constant 0 : index
    %swap3A_2 = arith.constant 0 : index
    %swap3A_3 = vector.load %arg3[%swap3A, %swap3A_2] : memref<2048x1024xi32, #tpu.memory_space<vmem>>, vector<2048x625xi32>
    tpu.vector_store %arg3[%swap3A, %swap3A_2], %get3A_1 {strides = array<i32>} : memref<2048x1024xi32, #tpu.memory_space<vmem>>, vector<2048x625xi32>,
    %and3A = arith.constant 3 : i32
    %and3A_4 = vector.broadcast %and3A : i32 to vector<2048x399xi32>
    %and3A_5 = arith.andi %iota3A, %and3A_4 : vector<2048x399xi32>
    %shift_left3A = arith.constant 12 : i32
    %shift_left3A_6 = vector.broadcast %shift_left3A : i32 to vector<2048x399xi32>
    %shift_left3A_7 = arith.shli %and3A_5, %shift_left3A_6 : vector<2048x399xi32>
    %get3A_8 = arith.constant 0 : index
    %get3A_9 = arith.constant 0 : index
    %get3A_10 = arith.constant 0 : index
    %get3A_11 = vector.load %arg2[%get3A_8, %get3A_9, %get3A_10] : memref<1x2048x399xi32, #tpu.memory_space<vmem>>, vector<1x2048x399xi32>
    %get3A_12 = vector.shape_cast %get3A_11 : vector<1x2048x399xi32> to vector<2048x399xi32>
    %add3A = arith.addi %shift_left3A_7, %get3A_12 : vector<2048x399xi32>
    %swap3A_13 = arith.constant 0 : index
    %swap3A_14 = arith.constant 625 : index
    %swap3A_15 = vector.load %arg3[%swap3A_13, %swap3A_14] : memref<2048x1024xi32, #tpu.memory_space<vmem>>, vector<2048x399xi32>
    tpu.vector_store %arg3[%swap3A_13, %swap3A_14], %add3A {strides = array<i32>} : memref<2048x1024xi32, #tpu.memory_space<vmem>>, vector<2048x399xi32>,
    return
  }
  func.func @transform_0(%arg0: i32) -> (i32, i32) {
    %c0_i32 = arith.constant 0 : i32
    %c0_i32_0 = arith.constant 0 : i32
    return %arg0, %c0_i32 : i32, i32
  }
  func.func @transform_1(%arg0: i32) -> (i32, i32, i32) {
    %c0_i32 = arith.constant 0 : i32
    %c0_i32_0 = arith.constant 0 : i32
    %c0_i32_1 = arith.constant 0 : i32
    return %c0_i32, %arg0, %c0_i32_0 : i32, i32, i32
  }
  func.func @transform_2(%arg0: i32) -> (i32, i32) {
    %c0_i32 = arith.constant 0 : i32
    %c0_i32_0 = arith.constant 0 : i32
    return %arg0, %c0_i32 : i32, i32
  }
}

module attributes {stable_mosaic.version = 14 : i64} {
  func.func @_loss_body(%arg0: i32, %arg1: memref<512x1024xf32, #tpu.memory_space<vmem>>, %arg2: memref<512x1024xi32, #tpu.memory_space<vmem>>, %arg3: memref<512x1xi32, #tpu.memory_space<vmem>>, %arg4: memref<1x2xf32, #tpu.memory_space<smem>>, %arg5: memref<2xf32, #tpu.memory_space<smem>>) attributes {dimension_semantics = [#tpu.dimension_semantics<arbitrary>], iteration_bounds = array<i64: 8>, scalar_prefetch = 0 : i64, scratch_operands = 1 : i64, tpu.core_type = #tpu.core_type<tc>, window_params = [{transform_indices = @transform_0, window_bounds = array<i64: 512, 1024>}, {transform_indices = @transform_1, window_bounds = array<i64: 512, 1024>}, {transform_indices = @transform_2, window_bounds = array<i64: 512, 1>}, {transform_indices = @transform_3, window_bounds = array<i64: 1, 2>}]} {
    %eq3A = arith.constant 0 : i32
    %eq3A_0 = arith.cmpi eq, %arg0, %eq3A : i32
    %convert_element_type3A = arith.extui %eq3A_0 : i1 to i32
    %cond3A = arith.constant 0 : i32
    %cond3A_1 = arith.cmpi ne, %convert_element_type3A, %cond3A : i32
    scf.if %cond3A_1 {
      %swap3A_75 = arith.constant 0.000000e+00 : f32
      %swap3A_76 = arith.constant 0 : index
      %swap3A_77 = memref.load %arg5[%swap3A_76] : memref<2xf32, #tpu.memory_space<smem>>
      memref.store %swap3A_75, %arg5[%swap3A_76] : memref<2xf32, #tpu.memory_space<smem>>
      %swap3A_78 = arith.constant 0.000000e+00 : f32
      %swap3A_79 = arith.constant 1 : index
      %swap3A_80 = memref.load %arg5[%swap3A_79] : memref<2xf32, #tpu.memory_space<smem>>
      memref.store %swap3A_78, %arg5[%swap3A_79] : memref<2xf32, #tpu.memory_space<smem>>
    } else {
    }
    %get3A = arith.constant 0 : index
    %get3A_2 = arith.constant 0 : index
    %get3A_3 = vector.load %arg1[%get3A, %get3A_2] : memref<512x1024xf32, #tpu.memory_space<vmem>>, vector<512x1024xf32>
    %get3A_4 = arith.constant 0 : index
    %get3A_5 = arith.constant 0 : index
    %get3A_6 = vector.load %arg2[%get3A_4, %get3A_5] : memref<512x1024xi32, #tpu.memory_space<vmem>>, vector<512x1024xi32>
    %get3A_7 = arith.constant 0 : index
    %get3A_8 = arith.constant 0 : index
    %get3A_9 = vector.load %arg3[%get3A_7, %get3A_8] : memref<512x1xi32, #tpu.memory_space<vmem>>, vector<512x1xi32>
    %eq3A_10 = arith.constant 0 : i32
    %eq3A_11 = vector.broadcast %eq3A_10 : i32 to vector<512x1xi32>
    %eq3A_12 = arith.cmpi eq, %get3A_9, %eq3A_11 : vector<512x1xi32>
    %convert_element_type3A_13 = arith.extui %eq3A_12 : vector<512x1xi1> to vector<512x1xi32>
    %convert_element_type3A_14 = arith.sitofp %convert_element_type3A_13 : vector<512x1xi32> to vector<512x1xf32>
    %sub3A = arith.constant 1.000000e+00 : f32
    %sub3A_15 = vector.broadcast %sub3A : f32 to vector<512x1xf32>
    %sub3A_16 = arith.subf %sub3A_15, %convert_element_type3A_14 : vector<512x1xf32>
    %eq3A_17 = vector.broadcast %get3A_9 : vector<512x1xi32> to vector<512x1024xi32>
    %eq3A_18 = arith.cmpi eq, %get3A_6, %eq3A_17 : vector<512x1024xi32>
    %convert_element_type3A_19 = arith.extui %eq3A_18 : vector<512x1024xi1> to vector<512x1024xi32>
    %convert_element_type3A_20 = arith.sitofp %convert_element_type3A_19 : vector<512x1024xi32> to vector<512x1024xf32>
    %reduce_max3A = arith.constant dense<0xFF800000> : vector<512xf32>
    %reduce_max3A_21 = vector.multi_reduction <maximumf>, %get3A_3, %reduce_max3A [1] : vector<512x1024xf32> to vector<512xf32>
    %broadcast_in_dim3A = vector.shape_cast %reduce_max3A_21 : vector<512xf32> to vector<512x1xf32>
    %sub3A_22 = vector.broadcast %broadcast_in_dim3A : vector<512x1xf32> to vector<512x1024xf32>
    %sub3A_23 = arith.subf %get3A_3, %sub3A_22 : vector<512x1024xf32>
    %exp3A = math.exp %sub3A_23 : vector<512x1024xf32>
    %reduce_sum3A = arith.constant dense<0.000000e+00> : vector<512xf32>
    %reduce_sum3A_24 = vector.multi_reduction <add>, %exp3A, %reduce_sum3A [1] : vector<512x1024xf32> to vector<512xf32>
    %broadcast_in_dim3A_25 = vector.shape_cast %reduce_sum3A_24 : vector<512xf32> to vector<512x1xf32>
    %mul3A = arith.mulf %broadcast_in_dim3A_25, %sub3A_16 : vector<512x1xf32>
    %add3A = arith.constant 9.99999971E-10 : f32
    %add3A_26 = vector.broadcast %add3A : f32 to vector<512x1xf32>
    %add3A_27 = arith.addf %mul3A, %add3A_26 : vector<512x1xf32>
    %log3A = math.log %add3A_27 : vector<512x1xf32>
    %sub3A_28 = vector.broadcast %log3A : vector<512x1xf32> to vector<512x1024xf32>
    %sub3A_29 = arith.subf %sub3A_23, %sub3A_28 : vector<512x1024xf32>
    %max3A = arith.constant -18.420681 : f32
    %max3A_30 = vector.broadcast %max3A : f32 to vector<512x1024xf32>
    %max3A_31 = arith.maximumf %sub3A_29, %max3A_30 : vector<512x1024xf32>
    %reduce_sum3A_32 = arith.constant dense<0.000000e+00> : vector<512xf32>
    %reduce_sum3A_33 = vector.multi_reduction <add>, %convert_element_type3A_20, %reduce_sum3A_32 [1] : vector<512x1024xf32> to vector<512xf32>
    %broadcast_in_dim3A_34 = vector.shape_cast %reduce_sum3A_33 : vector<512xf32> to vector<512x1xf32>
    %add3A_35 = arith.constant 9.99999971E-10 : f32
    %add3A_36 = vector.broadcast %add3A_35 : f32 to vector<512x1xf32>
    %add3A_37 = arith.addf %broadcast_in_dim3A_34, %add3A_36 : vector<512x1xf32>
    %mul3A_38 = arith.mulf %convert_element_type3A_20, %max3A_31 : vector<512x1024xf32>
    %reduce_sum3A_39 = arith.constant dense<0.000000e+00> : vector<512xf32>
    %reduce_sum3A_40 = vector.multi_reduction <add>, %mul3A_38, %reduce_sum3A_39 [1] : vector<512x1024xf32> to vector<512xf32>
    %broadcast_in_dim3A_41 = vector.shape_cast %reduce_sum3A_40 : vector<512xf32> to vector<512x1xf32>
    %reduce_sum3A_42 = arith.constant dense<0.000000e+00> : vector<512xf32>
    %reduce_sum3A_43 = vector.multi_reduction <add>, %convert_element_type3A_20, %reduce_sum3A_42 [1] : vector<512x1024xf32> to vector<512xf32>
    %broadcast_in_dim3A_44 = vector.shape_cast %reduce_sum3A_43 : vector<512xf32> to vector<512x1xf32>
    %div3A = arith.divf %sub3A_16, %add3A_37 : vector<512x1xf32>
    %log3A_45 = math.log %add3A_37 : vector<512x1xf32>
    %neg3A = arith.constant 0.000000e+00 : f32
    %neg3A_46 = vector.broadcast %neg3A : f32 to vector<512x1xf32>
    %neg3A_47 = arith.subf %neg3A_46, %log3A_45 : vector<512x1xf32>
    %mul3A_48 = arith.mulf %neg3A_47, %broadcast_in_dim3A_44 : vector<512x1xf32>
    %sub3A_49 = arith.subf %mul3A_48, %broadcast_in_dim3A_41 : vector<512x1xf32>
    %mul3A_50 = arith.mulf %div3A, %sub3A_49 : vector<512x1xf32>
    %get3A_51 = arith.constant 0 : index
    %get3A_52 = memref.load %arg5[%get3A_51] : memref<2xf32, #tpu.memory_space<smem>>
    %reduce_sum3A_53 = vector.shape_cast %mul3A_50 : vector<512x1xf32> to vector<1x512x1xf32>
    %reduce_sum3A_54 = arith.constant dense<0.000000e+00> : vector<1xf32>
    %reduce_sum3A_55 = vector.multi_reduction <add>, %reduce_sum3A_53, %reduce_sum3A_54 [1, 2] : vector<1x512x1xf32> to vector<1xf32>
    %reduce_sum3A_56 = vector.shape_cast %reduce_sum3A_55 : vector<1xf32> to vector<1x1x1xf32>
    %reduce_sum3A_57 = vector.extract %reduce_sum3A_56[0, 0, 0] : f32 from vector<1x1x1xf32>
    %add3A_58 = arith.addf %get3A_52, %reduce_sum3A_57 : f32
    %swap3A = arith.constant 0 : index
    %swap3A_59 = memref.load %arg5[%swap3A] : memref<2xf32, #tpu.memory_space<smem>>
    memref.store %add3A_58, %arg5[%swap3A] : memref<2xf32, #tpu.memory_space<smem>>
    %get3A_60 = arith.constant 1 : index
    %get3A_61 = memref.load %arg5[%get3A_60] : memref<2xf32, #tpu.memory_space<smem>>
    %reduce_sum3A_62 = vector.shape_cast %sub3A_16 : vector<512x1xf32> to vector<1x512x1xf32>
    %reduce_sum3A_63 = arith.constant dense<0.000000e+00> : vector<1xf32>
    %reduce_sum3A_64 = vector.multi_reduction <add>, %reduce_sum3A_62, %reduce_sum3A_63 [1, 2] : vector<1x512x1xf32> to vector<1xf32>
    %reduce_sum3A_65 = vector.shape_cast %reduce_sum3A_64 : vector<1xf32> to vector<1x1x1xf32>
    %reduce_sum3A_66 = vector.extract %reduce_sum3A_65[0, 0, 0] : f32 from vector<1x1x1xf32>
    %add3A_67 = arith.addf %get3A_61, %reduce_sum3A_66 : f32
    %swap3A_68 = arith.constant 1 : index
    %swap3A_69 = memref.load %arg5[%swap3A_68] : memref<2xf32, #tpu.memory_space<smem>>
    memref.store %add3A_67, %arg5[%swap3A_68] : memref<2xf32, #tpu.memory_space<smem>>
    %eq3A_70 = arith.constant 7 : i32
    %eq3A_71 = arith.cmpi eq, %arg0, %eq3A_70 : i32
    %convert_element_type3A_72 = arith.extui %eq3A_71 : i1 to i32
    %cond3A_73 = arith.constant 0 : i32
    %cond3A_74 = arith.cmpi ne, %convert_element_type3A_72, %cond3A_73 : i32
    scf.if %cond3A_74 {
      %get3A_75 = arith.constant 0 : index
      %get3A_76 = memref.load %arg5[%get3A_75] : memref<2xf32, #tpu.memory_space<smem>>
      %swap3A_77 = arith.constant 0 : index
      %swap3A_78 = arith.constant 0 : index
      %swap3A_79 = memref.load %arg4[%swap3A_77, %swap3A_78] : memref<1x2xf32, #tpu.memory_space<smem>>
      memref.store %get3A_76, %arg4[%swap3A_77, %swap3A_78] : memref<1x2xf32, #tpu.memory_space<smem>>
      %get3A_80 = arith.constant 1 : index
      %get3A_81 = memref.load %arg5[%get3A_80] : memref<2xf32, #tpu.memory_space<smem>>
      %swap3A_82 = arith.constant 0 : index
      %swap3A_83 = arith.constant 1 : index
      %swap3A_84 = memref.load %arg4[%swap3A_82, %swap3A_83] : memref<1x2xf32, #tpu.memory_space<smem>>
      memref.store %get3A_81, %arg4[%swap3A_82, %swap3A_83] : memref<1x2xf32, #tpu.memory_space<smem>>
    } else {
    }
    return
  }
  func.func @transform_0(%arg0: i32) -> (i32, i32) {
    %c0_i32 = arith.constant 0 : i32
    %c0_i32_0 = arith.constant 0 : i32
    return %arg0, %c0_i32 : i32, i32
  }
  func.func @transform_1(%arg0: i32) -> (i32, i32) {
    %c0_i32 = arith.constant 0 : i32
    %c0_i32_0 = arith.constant 0 : i32
    return %arg0, %c0_i32 : i32, i32
  }
  func.func @transform_2(%arg0: i32) -> (i32, i32) {
    %c0_i32 = arith.constant 0 : i32
    %c0_i32_0 = arith.constant 0 : i32
    return %arg0, %c0_i32 : i32, i32
  }
  func.func @transform_3(%arg0: i32) -> (i32, i32) {
    %c0_i32 = arith.constant 0 : i32
    %c0_i32_0 = arith.constant 0 : i32
    %c0_i32_1 = arith.constant 0 : i32
    return %c0_i32, %c0_i32_0 : i32, i32
  }
}

</mosaic_0001>

<sc_bundles>
// kernel: kernel.11.cloned.1.call-start
scs
__scs_entry_jumppad:
0x0: {  	(pc) =	sbr.rel $0x88, $3  }
0x1: {  	(tag) =	ssettag $0x0;
	lr =	simm.s32 $0x1  }
0x2: {  	[smem:$0x3F98] =	sst lr;
	_ =	strace $0xD0000000  }
0x3: {  	_ = 	snop  }
0x4: {  	_ = 	snop  }
0x5: {  	_ = 	snop  }
0x6: {  	_ = 	snop  }
0x7: {  	_ = 	snop  }
__scs_overlays_trampoline_lowered:
0x8: {  	[smem:$0x3FA7] =	sst s0  }
0x9: {  	[smem:$0x3FA8] =	sst s1  }
0xa: {  	[smem:$0x3FA9] =	sst s2  }
0xb: {  	[smem:$0x3FAA] =	sst s3  }
0xc: {  	[smem:$0x3FAB] =	sst s4  }
0xd: {  	[smem:$0x3FAC] =	sst s5  }
0xe: {  	[smem:$0x3FAD] =	sst s6  }
0xf: {  	[smem:$0x3FAE] =	sst s7  }
0x10: {  	[smem:$0x3FAF] =	sst s8  }
0x11: {  	[smem:$0x3FB0] =	sst s9;
	s0 =	simm.s32 @!p0 $0x0  }
0x12: {  	s1 =	sld [smem:$0x3F96];
	s0 =	simm.s32 @p0 $0x1  }
0x13: {  	[smem:$0x3FB1] =	sst s0;
	s0 =	simm.s32 @!p1 $0x0  }
0x14: {  	s2 =	sld [smem:$0x3F95];
	s0 =	simm.s32 @p1 $0x1  }
0x15: {  	[smem:$0x3FB2] =	sst s0;
	s0 =	simm.s32 @!p2 $0x0  }
0x16: {  	s3 =	sld [smem:$0x3FDB];
	s0 =	simm.s32 @p2 $0x1  }
0x17: {  	s4 =	simm.s32 $0x1BF5;
	[smem:$0x3FB4] =	sst s0  }
0x18: {  	s0 =	sld [smem:$0x3F97];
	_ =	swait.ge [sflag:s4], $0x0  }
0x19: {  	s7 =	sld [smem:$0x3F98]  }
0x1a: {  	s8 =	sadd.s32 $0xFFFFE003, lr  }
0x1b: {  	s9 =	sadd.s32 $0xFFFFFEF7, lr;
	s5 =	simm.s32 $0xFFFFFFFF;
	p2 =	slt.u32 s8, $0xFFFFF086  }
0x1c: {  	p1 =	slt.u32 s9, $0xF7A;
	s5 =	simm.s32 @!p2 $0x0  }
0x1d: {  	s5 =	simm.s32 @p1 $0x1;
	p0 =	seq.s32 s7, s2  }
0x1e: {  	s7 =	smul.u32 @!p0 $0xF7A, s2;
	p2 =	seq.s32 @!p0 s5, $0x0  }
0x1f: {  	s9 =	smul.u32 $0xF7A, s1;
	s8 =	simm.s32 @!p0 $0x1BF5;
	p2 =	por !p2, p0  }
0x20: {  	[sflag:s8] =	ssyncset.s32 @!p0 $0xFFFFF086;
	s6 =	sadd.s32 @!p0 s3, s7;
	s7 =	simm.s32 @!p0 $0x108  }
0x21: {  	s3 =	sadd.s32 s3, s9;
	s6 =	sadd.s32 @!p0 $0x88, s6;
	s7 =	simm.s32 @p2 $0x1082  }
0x22: {  	[simem:s7], [sflag:s8] =	dma.local @!p0 [hbm:s6], $0xF7A  }
0x23: {  	s9 =	sor.u32 $0xD0000000, s2;
	s6 =	simm.s32 $0x108;
	_ =	swait.ge @!p0 [sflag:s8], $0x0  }
0x24: {  	s3 =	sadd.s32 $0x88, s3;
	s6 =	simm.s32 @!p1 $0x1082;
	[sflag:s4] =	ssyncset.s32 $0xFFFFF086  }
0x25: {  	[simem:s6], [sflag:s4] =	dma.local [hbm:s3], $0xF7A  }
0x26: {  	[smem:$0x3F98] =	sst s1;
	(tag) =	ssettag s2;
	_ =	strace s9  }
0x27: {  	s1 =	sld [smem:$0x3FA8]  }
0x28: {  	s2 =	sld [smem:$0x3FA9]  }
0x29: {  	s4 =	sld [smem:$0x3FAB]  }
0x2a: {  	p0 =	seq.s32 s5, $0x0;
	s5 =	sld [smem:$0x3FAC]  }
0x2b: {  	s6 =	sld [smem:$0x3FAD]  }
0x2c: {  	s7 =	sld [smem:$0x3FAE]  }
0x2d: {  	s3 =	simm.s32 $0x108;
	s8 =	sld [smem:$0x3FAF]  }
0x2e: {  	s3 =	simm.s32 @!p0 $0x1082;
	s9 =	sld [smem:$0x3FB0]  }
0x2f: {  	lr =	sadd.s32 s0, s3;
	s0 =	sld [smem:$0x3FA7]  }
0x30: {  	s3 =	sld [smem:$0x3FAA]  }
0x31: {  	[smem:$0x3FB3] =	sst s10  }
0x32: {  	s10 =	sld [smem:$0x3FB1];
	_ =	sdelay $0x3  }
0x33: {  	p0 =	seq.s32 s10, $0x1;
	s10 =	sld [smem:$0x3FB3];
	_ =	sdelay $0x3  }
0x34: {  	[smem:$0x3FB3] =	sst s10  }
0x35: {  	s10 =	sld [smem:$0x3FB2];
	_ =	sdelay $0x3  }
0x36: {  	p1 =	seq.s32 s10, $0x1;
	s10 =	sld [smem:$0x3FB3];
	_ =	sdelay $0x3  }
0x37: {  	[smem:$0x3FB3] =	sst s10  }
0x38: {  	s10 =	sld [smem:$0x3FB4]  }
0x39: {  	_ = 	snop;
	(pc) =	sbr.ind lr, $3  }
0x3a: {  	_ = 	snop  }
0x3b: {  	_ = 	snop  }
0x3c: {  	p2 =	seq.s32 s10, $0x1;
	s10 =	sld [smem:$0x3FB3]  }
0x3d: {  	_ =	shalt  }
0x3e: {  	_ =	shalt  }
0x3f: {  	_ =	shalt  }
0x40: {  	_ =	shalt  }
0x41: {  	_ =	shalt  }
0x42: {  	_ =	shalt  }
0x43: {  	_ =	shalt  }
0x44: {  	_ =	shalt  }
0x45: {  	_ =	shalt  }
0x46: {  	_ =	shalt  }
0x47: {  	_ =	shalt  }
0x48: {  	_ =	shalt  }
0x49: {  	_ =	shalt  }
0x4a: {  	_ =	shalt  }
0x4b: {  	_ =	shalt  }
0x4c: {  	_ =	shalt  }
0x4d: {  	_ =	shalt  }
0x4e: {  	_ =	shalt  }
0x4f: {  	_ =	shalt  }
0x50: {  	_ =	shalt  }
0x51: {  	_ =	shalt  }
0x52: {  	_ =	shalt  }
0x53: {  	_ =	shalt  }
0x54: {  	_ =	shalt  }
0x55: {  	_ =	shalt  }
0x56: {  	_ =	shalt  }
0x57: {  	_ =	shalt  }
0x58: {  	_ =	shalt  }
0x59: {  	_ =	shalt  }
0x5a: {  	_ =	shalt  }
0x5b: {  	_ =	shalt  }
0x5c: {  	_ =	shalt  }
0x5d: {  	_ =	shalt  }
0x5e: {  	_ =	shalt  }
0x5f: {  	_ =	shalt  }
0x60: {  	_ =	shalt  }
0x61: {  	_ =	shalt  }
0x62: {  	_ =	shalt  }
0x63: {  	_ =	shalt  }
0x64: {  	_ =	shalt  }
0x65: {  	_ =	shalt  }
0x66: {  	_ =	shalt  }
0x67: {  	_ =	shalt  }
0x68: {  	_ =	shalt  }
0x69: {  	_ =	shalt  }
0x6a: {  	_ =	shalt  }
0x6b: {  	_ =	shalt  }
0x6c: {  	_ =	shalt  }
0x6d: {  	_ =	shalt  }
0x6e: {  	_ =	shalt  }
0x6f: {  	_ =	shalt  }
0x70: {  	_ =	shalt  }
0x71: {  	_ =	shalt  }
0x72: {  	_ =	shalt  }
0x73: {  	_ =	shalt  }
0x74: {  	_ =	shalt  }
0x75: {  	_ =	shalt  }
0x76: {  	_ =	shalt  }
0x77: {  	_ =	shalt  }
0x78: {  	_ =	shalt  }
0x79: {  	_ =	shalt  }
0x7a: {  	_ =	shalt  }
0x7b: {  	_ =	shalt  }
0x7c: {  	_ =	shalt  }
0x7d: {  	_ =	shalt  }
0x7e: {  	_ =	shalt  }
0x7f: {  	_ =	shalt  }
0x80: {  	_ =	shalt  }
0x81: {  	_ =	shalt  }
0x82: {  	_ =	shalt  }
0x83: {  	_ =	shalt  }
0x84: {  	_ =	shalt  }
0x85: {  	_ =	shalt  }
0x86: {  	_ =	shalt  }
0x87: {  	_ =	shalt  }
.Lfunc_end0:
.L_simem_size_0:
called_computation_lowered:
.L_overlay_start_0:
0x88: {  	s2 =	sld [smem:$0x3FD9]  }
0x89: {  	s3 =	sld [smem:$0x3FFE];
	_ =	sdelay $0x1  }
0x8a: {  	s1 =	srdreg.scid  }
0x8b: {  	s0 =	sand.u32 $0x1, s1  }
0x8c: {  	s16 =	sshll.u32 s0, $0xA;
	s2 =	sadd.s32 s3, s2  }
0x8d: {  	s2 =	sadd.s32 s2, s16  }
0x8e: {  	[smem:$0x3FBF] =	sst s2  }
0x8f: {  	_ = 	snop  }
0x90: {  	(tm) =	ssettm $0x1  }
0x91: {  	s17 =	sld [smem:$0x3FFB];
	_ =	sdelay $0x3  }
0x92: {  	_ =	strace s17  }
0x93: {  	s2 =	sld [smem:$0x3FFC];
	_ =	sdelay $0x3  }
0x94: {  	_ =	strace s2  }
0x95: {  	s2 =	sld [smem:$0x3FFD];
	_ =	sdelay $0x3  }
0x96: {  	_ =	strace s2  }
0x97: {  	_ =	strace $0x8FFFFFFF  }
0x98: {  	s18 =	sld [smem:$0x3FDB];
	_ =	sdelay $0x1  }
0x99: {  	s19 =	simm.s32 $_scs_section_size  }
0x9a: {  	s4 =	simm.s32 $_size__tile_overlayer_lowered;
	s5 =	simm.s32 $_tile_overlayer_lowered  }
0x9b: {  	s22 =	simm.s32 $0x1BFF;
	s21 =	sshll.u32 s5, $0x1;
	s2 =	sadd.s32 s19, s18  }
0x9c: {  	s6 =	simm.s32 $0x0;
	s20 =	sshll.u32 s4, $0x1;
	s4 =	sadd.s32 s21, s2  }
0x9d: {  	[timem:s6], [sflag:s22] =	dma.local [hbm:s4], s20  }
0x9e: {  	_ =	swait.ge [sflag:s22], s20  }
0x9f: {  	s3 =	ssub.s32 $0x0, s20;
	[sflag:s22] =	ssyncset.done $0x0  }
0xa0: {  	[sflag:s22] =	ssyncadd.s32 s3;
	_ =	sdelay $0x1  }
0xa1: {  	s23 =	simm.s32 $0x1B8B  }
0xa2: {  	_ =	swait.ge [sflag:s23], $0x1  }
0xa3: {  	[sflag:s23] =	ssyncset.done $0x0  }
0xa4: {  	s25 =	simm.s32 $0x1B8E;
	s24 =	sld [smem:$0x3FFE];
	[sflag:s23] =	ssyncadd.s32 $0xFFFFFFFF  }
0xa5: {  	s26 =	simm.s32 $execute0_lowered;
	[smem:$0x3FD2] =	sst s25  }
0xa6: {  	s4 =	sshll.u32 s26, $0x1;
	_ =	strace $0x80000046;
	[dreg:$0x1] =	wrdreg $0xFFFFFFFF  }
0xa7: {  	s28 =	simm.s32 $_size_execute0_lowered;
	s2 =	sadd.s32 s2, s4;
	[dreg:$0x0] =	wrdreg $0x0  }
0xa8: {  	s4 =	sshll.u32 s28, $0x1;
	[dreg:$0x2] =	wrdreg s2  }
0xa9: {  	[dreg:$0x3] =	wrdreg s4  }
0xaa: {  	[dreg:$0x4] =	wrdreg $0xC0  }
0xab: {  	_ =	task [dreg:s6], $0x5FFFF  }
0xac: {  	[dreg:$0x1] =	wrdreg $0xFFFFFFFF  }
0xad: {  	[dreg:$0x0] =	wrdreg $0x60  }
0xae: {  	[dreg:$0x2] =	wrdreg s24  }
0xaf: {  	[dreg:$0x3] =	wrdreg $0x9  }
0xb0: {  	_ =	task.clear_ibuf [dreg:s6], $0x4FFFF;
	_ =	strace $0x90000046  }
0xb1: {  	s29 =	simm.s32 $0x9;
	_ =	strace $0x80000048  }
0xb2: {  	_ =	swait.ge [sflag:s29], $0x1  }
0xb3: {  	[sflag:s29] =	ssyncadd.s32 $0xFFFFFFFF  }
0xb4: {  	_ =	strace $0x90000048  }
0xb5: {  	_ =	sfence  }
0xb6: {  	s30 =	sld [smem:$0x0];
	_ =	sdelay $0x2  }
0xb7: {  	s31 =	sshll.u32 s1, $0xD;
	s1 =	sshrl.u32 s1, $0x2  }
0xb8: {  	s3 =	sand.u32 $0x4000, s31;
	s1 =	sadd.s32 s1, s30  }
0xb9: {  	s0 =	sor.u32 s3, s0;
	s1 =	sshll.u32 s1, $0x11  }
0xba: {  	s0 =	sor.u32 s1, s0  }
0xbb: {  	s0 =	sadd.s32 $0x8F2B, s0  }
0xbc: {  	[sflag:s0] =	ssyncadd.remote.s32 $0x1  }
0xbd: {  	_ =	sfence.sel $0xFFFF  }
0xbe: {  	[dreg:$0x0] =	wrdreg $0xFFFFFFFF;
	(pc) =	sbr.abs _section_cstart, $3  }
0xbf: {  	[dreg:$0x1] =	wrdreg $0xFFFFFFFF  }
0xc0: {  	_ =	task.clear_ibuf [dreg:s6], $0x2FFFF;
	_ =	strace $0x9FFFFFFF  }
0xc1: {  	(tm) =	ssettm $0x7FFFFFFF  }
tec
execute0_lowered:
.L_overlay_start_1:
0x0: {  	(tag) =	ssettag $0x1  }
0x1: {  	s0 =	rddreg [dreg:$0x0];
	s1 =	simm.s32 $0x0  }
0x2: {  	s2 =	srdreg.scid;
	s5 =	stileid.u32;
	s14 =	simm.s32 $0xA000  }
0x3: {  	s16 =	simm.s32 $0x200;
	s17 =	simm.s32 $0x400;
	s19 =	simm.s32 $0x4000  }
0x4: {  	s21 =	simm.s32 $0x1;
	s22 =	simm.s32 $0xE000;
	s23 =	simm.s32 $0x10000  }
0x5: {  	s24 =	simm.s32 $0x2;
	s25 =	simm.s32 $0xF000;
	s26 =	simm.s32 $0x11000  }
0x6: {  	[smem:$0x7FF] =	sst s1;
	s3 =	sadd.s32 $0x4400, s0;
	s4 =	sadd.s32 $0x204400, s0  }
0x7: {  	s2 =	sand.u32 $0x1, s2;
	s6 =	sadd.s32 $0x284400, s0;
	s5 =	sshll.u32 s5, $0x8  }
0x8: {  	s11 =	sadd.s32 $0x4440, s0;
	_ =	strace $0x80000047;
	s7 =	sshll.u32 s2, $0x7  }
0x9: {  	[dreg:$0x2] =	wrdreg s6;
	s6 =	sadd.s32 $0x304C00, s0;
	s5 =	sor.u32 s7, s5  }
0xa: {  	s2 =	ssub.s32 $0x2, s2;
	s7 =	sadd.s32 $0x284C00, s0;
	s9 =	sshll.u32 s5, $0x9  }
0xb: {  	s8 =	sshrl.u32 s2, $0x1;
	s30 =	sshll.u32 s5, $0x7;
	s29 =	sadd.s32 s3, s9  }
0xc: {  	s2 =	ssub.s32 s2, s8;
	s8 =	sadd.s32 s4, s30;
	[dreg:$0x3] =	wrdreg s29  }
0xd: {  	s10 =	sshrl.u32 s5, $0x3;
	s31 =	smax.u32 s2, $0x1;
	[dreg:$0x4] =	wrdreg s8  }
0xe: {  	s12 =	sor.u32 $0x8, s5;
	s5 =	simm.s32 $0x0;
	[dreg:$0x5] =	wrdreg s31  }
.LBB2_1:
0xf: {  	[dreg:$0x6] =	wrdreg s5  }
0x10: {  	s0 =	rddreg [dreg:$0x2];
	s28 =	simm.s32 $0x5  }
0x11: {  	[tilespmem:s14], [sflag:$0x5] =	stream.linear.gather [hbm4b:s0+s1], $0x4000, $0x38;
	[tilespmem:$0x12000] =	vst v63  }
0x12: {  	_ =	swait.ge [sflag:s28], $0x4000  }
0x13: {  	[sflag:s28] =	ssyncset.done $0x0  }
0x14: {  	s29 =	rddreg [dreg:$0x3];
	[sflag:s28] =	ssyncadd.s32 $0xFFFFC000  }
0x15: {  	[tilespmem:s1], [sflag:$0x1] =	stream.strided.gather [hbm4b:s29+s16], $0x4000, s17, s16, $0x38;
	[tilespmem:$0x12000] =	vst v63  }
0x16: {  	s2 =	simm.s32 $0x8000;
	s31 =	simm.s32 $0x0;
	s30 =	rddreg [dreg:$0x4]  }
0x17: {  	[tilespmem:s2], [sflag:$0x1] =	stream.strided.gather [hbm4b:s30+s16], $0x1000, s17, s16, $0x38;
	[tilespmem:$0x12000] =	vst v63  }
.LBB2_2:
0x18: {  	s0 =	sor.u32 s10, s31  }
0x19: {  	s2 =	sshll.u32 s0, $0xC  }
0x1a: {  	s2 =	sadd.s32 s2, s11  }
0x1b: {  	[tilespmem:s19], [sflag:$0x2] =	stream.strided.gather [hbm4b:s2+s16], $0x4000, s17, s16, $0x38;
	[tilespmem:$0x12000] =	vst v63  }
0x1c: {  	s2 =	sshll.u32 s0, $0xA  }
0x1d: {  	s0 =	sor.u32 $0x40, s2  }
0x1e: {  	s8 =	simm.s32 $0x9000;
	s5 =	sadd.s32 s4, s0  }
0x1f: {  	[tilespmem:s8], [sflag:$0x2] =	stream.strided.gather [hbm4b:s5+s16], $0x1000, s17, s16, $0x38;
	[tilespmem:$0x12000] =	vst v63  }
0x20: {  	_ =	swait.ge [sflag:s21], $0x4000  }
0x21: {  	[sflag:s21] =	ssyncset.done $0x0  }
0x22: {  	[sflag:s21] =	ssyncadd.s32 $0xFFFFC000  }
0x23: {  	_ =	swait.ge [sflag:s21], $0x1000  }
0x24: {  	p0 =	seq.s32 s31, $0x0;
	[sflag:s21] =	ssyncset.done $0x0  }
0x25: {  	s5 =	simm.s32 @!p0 $0x3;
	[sflag:s21] =	ssyncadd.s32 $0xFFFFF000  }
0x26: {  	_ =	swait.ge @!p0 [sflag:s5], $0x1000  }
0x27: {  	[sflag:s5] =	ssyncset.done @!p0 $0x0  }
0x28: {  	[sflag:s5] =	ssyncadd.s32 @!p0 $0xFFFFF000  }
0x29: {  	s18 =	sshll.u32 s31, $0x3;
	_ =	swait.ge @!p0 [sflag:s5], $0x1000  }
0x2a: {  	s30 =	simm.s32 $0x10040;
	s9 =	simm.s32 $0xE040;
	[sflag:s5] =	ssyncset.done @!p0 $0x0  }
0x2b: {  	s13 =	simm.s32 $0x8040;
	[sflag:s5] =	ssyncadd.s32 @!p0 $0xFFFFF000;
	s5 =	simm.s32 $0x0  }
.LBB2_3:
0x2c: {  	v0 =	vld [tilespmem:s13+$0xFFFFFFC0]  }
0x2d: {  	v1 =	vld [tilespmem:s13+$0x20];
	_ =	sdelay $0x1  }
0x2e: {  	v7 =	vld [tilespmem:s13+$0x10];
	_ =	sdelay $0x1  }
0x2f: {  	v4 =	vld [tilespmem:s13+$0x0]  }
0x30: {  	v3 =	vshll.u32 v0, $0x2;
	v5 =	vand.u32 $0xFFFFC07F, v0;
	v6 =	vshll.u32 v1, $0x2  }
0x31: {  	v0 =	vshrl.u32 v0, $0x5;
	v8 =	vand.u32 $0xFFFFC07F, v1;
	v1 =	vshrl.u32 v1, $0x5  }
0x32: {  	v2 =	vld [tilespmem:s13+$0xFFFFFFF0];
	v9 =	vshrl.u32 v7, $0x5;
	v10 =	vand.u32 $0xFFFFC07F, v7;
	v3 =	vand.u32 $0x3E00, v3  }
0x33: {  	v0 =	vand.u32 $0x180, v0;
	v3 =	vor.u32 v3, v5;
	v5 =	vand.u32 $0x3E00, v6;
	v6 =	vld [tilespmem:s13+$0x30]  }
0x34: {  	v7 =	vshll.u32 v7, $0x2;
	v16 =	vshll.u32 v4, $0x2;
	v3 =	vor.u32 v0, v3  }
0x35: {  	v12 =	vld [tilespmem:s13+$0xFFFFFFE0];
	s15 =	sadd.s32 $0x200, s13;
	v7 =	vand.u32 $0x3E00, v7;
	v5 =	vor.u32 v5, v8;
	v0 =	vand.u32 $0x180, v1  }
0x36: {  	v20 =	vld [tilespmem:s15+$0x20];
	v9 =	vand.u32 $0x180, v9;
	v7 =	vor.u32 v7, v10;
	v5 =	vor.u32 v0, v5  }
0x37: {  	v1 =	vshrl.u32 v4, $0x5;
	v8 =	vld [tilespmem:s13+$0xFFFFFFD0];
	v7 =	vor.u32 v9, v7;
	v4 =	vand.u32 $0xFFFFC07F, v4  }
0x38: {  	v22 =	vld [tilespmem:s15+$0x10];
	v9 =	vand.u32 $0x3E00, v16;
	v0 =	vshrl.u32 v2, $0x5;
	v11 =	vshll.u32 v6, $0x2  }
0x39: {  	v13 =	vshrl.u32 v6, $0x5;
	v6 =	vand.u32 $0xFFFFC07F, v6;
	v11 =	vand.u32 $0x3E00, v11;
	v14 =	vld.idx.msk [tilespmem:v3+s1+$0x0], $0xffff  }
0x3a: {  	v16 =	vld [tilespmem:s15+$0xFFFFFFC0];
	v10 =	vand.u32 $0x180, v1;
	v13 =	vand.u32 $0x180, v13;
	v6 =	vor.u32 v11, v6  }
0x3b: {  	v15 =	vld.idx.msk [tilespmem:v5+s1+$0x0], $0xffff;
	v13 =	vor.u32 v13, v6;
	v6 =	vand.u32 $0xFFFFC07F, v2;
	v2 =	vshll.u32 v2, $0x2  }
0x3c: {  	v1 =	vld [tilespmem:s15+$0xFFFFFFE0];
	v4 =	vor.u32 v9, v4;
	v19 =	vshll.u32 v8, $0x2;
	v2 =	vand.u32 $0x3E00, v2  }
0x3d: {  	v11 =	vand.u32 $0x180, v0;
	v0 =	vld [tilespmem:s15+$0xFFFFFFD0];
	v2 =	vor.u32 v2, v6;
	v6 =	vshrl.u32 v8, $0x5  }
0x3e: {  	[tilespmem:s9+$0xFFFFFFC0] =	vst v14;
	v14 =	vand.u32 $0x3E00, v19;
	v19 =	vand.u32 $0xFFFFC07F, v8;
	v8 =	vor.u32 v11, v2;
	v2 =	vld.idx.msk [tilespmem:v7+s1+$0x0], $0xffff  }
0x3f: {  	v10 =	vor.u32 v10, v4;
	v21 =	vld.idx.msk [tilespmem:v3+s14+$0x0], $0xffff  }
0x40: {  	v17 =	vshll.u32 v12, $0x2;
	v18 =	vand.u32 $0xFFFFC07F, v12;
	v12 =	vshrl.u32 v12, $0x5;
	[tilespmem:s9+$0x20] =	vst v15;
	v9 =	vld.idx.msk [tilespmem:v13+s1+$0x0], $0xffff  }
0x41: {  	v6 =	vand.u32 $0x180, v6;
	v3 =	vand.u32 $0x3E00, v17;
	v11 =	vor.u32 v14, v19;
	v15 =	vld.idx.msk [tilespmem:v5+s14+$0x0], $0xffff  }
0x42: {  	v4 =	vor.u32 v3, v18;
	v5 =	vand.u32 $0x180, v12;
	v17 =	vor.u32 v6, v11;
	v3 =	vld [tilespmem:s15+$0xFFFFFFF0]  }
0x43: {  	v6 =	vld [tilespmem:s15+$0x0];
	v19 =	vor.u32 v5, v4;
	v4 =	vshll.u32 v16, $0x2  }
0x44: {  	v14 =	vshll.u32 v20, $0x2;
	v11 =	vld.idx.msk [tilespmem:v10+s1+$0x0], $0xffff;
	v12 =	vand.u32 $0xFFFFC07F, v16;
	v4 =	vand.u32 $0x3E00, v4  }
0x45: {  	v5 =	vld.idx.msk [tilespmem:v8+s1+$0x0], $0xffff;
	v4 =	vor.u32 v4, v12;
	v12 =	vand.u32 $0x3E00, v14;
	v14 =	vshrl.u32 v16, $0x5;
	[tilespmem:s9+$0x10] =	vst v2  }
0x46: {  	v2 =	vand.u32 $0x180, v14;
	v14 =	vld.idx.msk [tilespmem:v7+s14+$0x0], $0xffff  }
0x47: {  	v18 =	vld.idx.msk [tilespmem:v17+s1+$0x0], $0xffff  }
0x48: {  	v16 =	vshrl.u32 v20, $0x5;
	[tilespmem:s9+$0x30] =	vst v9;
	v9 =	vand.u32 $0xFFFFC07F, v20;
	v20 =	vld [tilespmem:s15+$0x30];
	v4 =	vor.u32 v2, v4  }
0x49: {  	v26 =	vshrl.u32 v22, $0x5;
	[tilespmem:s30+$0xFFFFFFC0] =	vst v21;
	v23 =	vld.idx.msk [tilespmem:v19+s1+$0x0], $0xffff  }
0x4a: {  	v21 =	vshrl.u32 v3, $0x5;
	v2 =	vand.u32 $0x180, v16;
	[tilespmem:s9+$0x0] =	vst v11;
	v9 =	vor.u32 v12, v9;
	v24 =	vld.idx.msk [tilespmem:v13+s14+$0x0], $0xffff  }
0x4b: {  	v25 =	vshrl.u32 v6, $0x5;
	v16 =	vand.u32 $0xFFFFC07F, v6;
	v11 =	vld.idx.msk [tilespmem:v10+s14+$0x0], $0xffff;
	v2 =	vor.u32 v2, v9;
	[tilespmem:s9+$0xFFFFFFF0] =	vst v5  }
0x4c: {  	[tilespmem:s30+$0x20] =	vst v15;
	v12 =	vand.u32 $0xFFFFC07F, v22;
	v7 =	vand.u32 $0x180, v21;
	v5 =	vand.u32 $0x180, v25;
	v13 =	vld.idx.msk [tilespmem:v8+s14+$0x0], $0xffff  }
0x4d: {  	v8 =	vand.u32 $0xFFFFC07F, v3;
	[tilespmem:s9+$0xFFFFFFD0] =	vst v18;
	v10 =	vshll.u32 v20, $0x2;
	v18 =	vshrl.u32 v20, $0x5;
	v15 =	vld.idx.msk [tilespmem:v4+s1+$0x0], $0xffff  }
0x4e: {  	s20 =	simm.s32 $0x8;
	v20 =	vand.u32 $0xFFFFC07F, v20;
	v9 =	vld.idx.msk [tilespmem:v17+s14+$0x0], $0xffff;
	[tilespmem:s9+$0xFFFFFFE0] =	vst v23;
	v21 =	vand.u32 $0x3E00, v10;
	v18 =	vand.u32 $0x180, v18  }
0x4f: {  	s28 =	sadd.s32 $0x200, s9;
	s29 =	smov.u32 s30;
	s8 =	smov.u32 s30;
	v17 =	vand.u32 $0x180, v26;
	[tilespmem:s30+$0x30] =	vst v24;
	v10 =	vld.idx.msk [tilespmem:v19+s14+$0x0], $0xffff;
	v19 =	vshll.u32 v22, $0x2;
	v20 =	vor.u32 v21, v20  }
.LBB2_4:
0x50: {  	s20 =	sadd.s32 $0x8, s20;
	v6 =	vshll.u32 v6, $0x2;
	v19 =	vand.u32 $0x3E00, v19;
	v21 =	vld.idx.msk [tilespmem:v2+s1+$0x0], $0xffff;
	v18 =	vor.u32 v18, v20;
	s15 =	sadd.s32 $0x200, s15;
	[tilespmem:s29+$0x10] =	vst v14;
	s8 =	sadd.s32 $0x200, s8  }
0x51: {  	v3 =	vshll.u32 v3, $0x2;
	v14 =	vld [tilespmem:s15+$0xFFFFFFD0];
	p1 =	slt.u32 s20, $0x38;
	v6 =	vand.u32 $0x3E00, v6;
	v12 =	vor.u32 v19, v12;
	[tilespmem:s29+$0xFFFFFFF0] =	vst v13  }
0x52: {  	v20 =	vand.u32 $0xFFFFC07F, v1;
	v19 =	vshll.u32 v1, $0x2;
	v13 =	vld [tilespmem:s15+$0xFFFFFFE0];
	v17 =	vor.u32 v17, v12;
	[tilespmem:s29+$0x0] =	vst v11  }
0x53: {  	v1 =	vshrl.u32 v1, $0x5;
	v12 =	vshll.u32 v0, $0x2;
	v6 =	vor.u32 v6, v16;
	v11 =	vld [tilespmem:s15+$0xFFFFFFC0];
	[tilespmem:s29+$0xFFFFFFD0] =	vst v9  }
0x54: {  	v16 =	vand.u32 $0xFFFFC07F, v0;
	v19 =	vand.u32 $0x3E00, v19;
	v12 =	vand.u32 $0x3E00, v12;
	v9 =	vld [tilespmem:s15+$0x20];
	[tilespmem:s29+$0xFFFFFFE0] =	vst v10;
	s29 =	smov.u32 s8  }
0x55: {  	v3 =	vand.u32 $0x3E00, v3;
	v10 =	vor.u32 v12, v16;
	v12 =	vor.u32 v19, v20;
	[tilespmem:s28+$0xFFFFFFC0] =	vst v15;
	v15 =	vld.idx.msk [tilespmem:v18+s1+$0x0], $0xffff  }
0x56: {  	v3 =	vor.u32 v3, v8;
	v16 =	vshrl.u32 v0, $0x5;
	v20 =	vand.u32 $0x180, v1;
	v4 =	vld.idx.msk [tilespmem:v4+s14+$0x0], $0xffff;
	[tilespmem:s28+$0x20] =	vst v21;
	v0 =	vmovc v14  }
0x57: {  	v7 =	vor.u32 v7, v3;
	v8 =	vand.u32 $0x180, v16;
	v19 =	vor.u32 v20, v12;
	v12 =	vld.idx.msk [tilespmem:v17+s1+$0x0], $0xffff;
	v1 =	vmovc v13  }
0x58: {  	v16 =	vor.u32 v5, v6;
	v10 =	vor.u32 v8, v10;
	v3 =	vshll.u32 v11, $0x2;
	v2 =	vld.idx.msk [tilespmem:v2+s14+$0x0], $0xffff  }
0x59: {  	v6 =	vand.u32 $0xFFFFC07F, v11;
	v5 =	vand.u32 $0x3E00, v3;
	v3 =	vld [tilespmem:s15+$0xFFFFFFF0];
	v8 =	vshll.u32 v9, $0x2  }
0x5a: {  	v13 =	vand.u32 $0xFFFFC07F, v9;
	v5 =	vor.u32 v5, v6;
	v6 =	vld [tilespmem:s15+$0x0];
	v8 =	vand.u32 $0x3E00, v8  }
0x5b: {  	v11 =	vshrl.u32 v11, $0x5;
	v9 =	vshrl.u32 v9, $0x5;
	v20 =	vld [tilespmem:s15+$0x10];
	v8 =	vor.u32 v8, v13;
	[tilespmem:s28+$0x30] =	vst v15  }
0x5c: {  	[tilespmem:s8+$0xFFFFFFC0] =	vst v4;
	v13 =	vld.idx.msk [tilespmem:v7+s1+$0x0], $0xffff  }
0x5d: {  	v15 =	vld.idx.msk [tilespmem:v16+s1+$0x0], $0xffff;
	[tilespmem:s28+$0x10] =	vst v12  }
0x5e: {  	v21 =	vshrl.u32 v3, $0x5;
	v22 =	vld.idx.msk [tilespmem:v10+s1+$0x0], $0xffff;
	[tilespmem:s8+$0x20] =	vst v2  }
0x5f: {  	v23 =	vshrl.u32 v6, $0x5;
	v24 =	vld.idx.msk [tilespmem:v19+s1+$0x0], $0xffff  }
0x60: {  	v25 =	vshrl.u32 v20, $0x5;
	v12 =	vand.u32 $0xFFFFC07F, v20;
	v26 =	vld [tilespmem:s15+$0x30]  }
0x61: {  	v2 =	vand.u32 $0x180, v11;
	v27 =	vld.idx.msk [tilespmem:v18+s14+$0x0], $0xffff  }
0x62: {  	v4 =	vor.u32 v2, v5;
	v2 =	vand.u32 $0x180, v9;
	[tilespmem:s28+$0xFFFFFFF0] =	vst v13;
	v14 =	vld.idx.msk [tilespmem:v17+s14+$0x0], $0xffff  }
.Ltmp0:
0x63: {  	v2 =	vor.u32 v2, v8;
	v13 =	vld.idx.msk [tilespmem:v7+s14+$0x0], $0xffff;
	[tilespmem:s28+$0x0] =	vst v15;
	(pc) =	sbr.rel @p1 .LBB2_4-.Ltmp0, $4  }
0x64: {  	v8 =	vand.u32 $0xFFFFC07F, v3;
	v5 =	vand.u32 $0x180, v23;
	v7 =	vand.u32 $0x180, v21;
	[tilespmem:s28+$0xFFFFFFD0] =	vst v22;
	v11 =	vld.idx.msk [tilespmem:v16+s14+$0x0], $0xffff  }
0x65: {  	v15 =	vshll.u32 v26, $0x2;
	v17 =	vshrl.u32 v26, $0x5;
	v21 =	vand.u32 $0xFFFFC07F, v26;
	v9 =	vld.idx.msk [tilespmem:v10+s14+$0x0], $0xffff;
	[tilespmem:s28+$0xFFFFFFE0] =	vst v24  }
0x66: {  	v16 =	vand.u32 $0xFFFFC07F, v6;
	v22 =	vand.u32 $0x3E00, v15;
	v18 =	vand.u32 $0x180, v17;
	v10 =	vld.idx.msk [tilespmem:v19+s14+$0x0], $0xffff  }
0x67: {  	s28 =	sadd.s32 $0x200, s28;
	v19 =	vshll.u32 v20, $0x2;
	v17 =	vand.u32 $0x180, v25;
	v15 =	vld.idx.msk [tilespmem:v4+s1+$0x0], $0xffff;
	v20 =	vor.u32 v22, v21;
	[tilespmem:s8+$0x30] =	vst v27  }
0x68: {  	_ = 	snop  }
0x69: {  	v6 =	vshll.u32 v6, $0x2  }
0x6a: {  	v19 =	vand.u32 $0x3E00, v19;
	v18 =	vor.u32 v18, v20;
	v3 =	vshll.u32 v3, $0x2  }
0x6b: {  	v44 =	vshll.u32 v1, $0x2;
	v45 =	vand.u32 $0xFFFFC07F, v1;
	v46 =	vshll.u32 v0, $0x2  }
0x6c: {  	v21 =	vld.idx.msk [tilespmem:v2+s1+$0x0], $0xffff;
	v47 =	vshrl.u32 v1, $0x5;
	v49 =	vand.u32 $0xFFFFC07F, v0;
	v51 =	vshrl.u32 v0, $0x5  }
0x6d: {  	v6 =	vand.u32 $0x3E00, v6;
	v12 =	vor.u32 v19, v12;
	v3 =	vand.u32 $0x3E00, v3  }
0x6e: {  	[tilespmem:s29+$0x10] =	vst v14;
	v48 =	vand.u32 $0x3E00, v46;
	v12 =	vor.u32 v17, v12;
	v3 =	vor.u32 v3, v8  }
0x6f: {  	[tilespmem:s29+$0xFFFFFFF0] =	vst v13;
	v50 =	vand.u32 $0x3E00, v44;
	v6 =	vor.u32 v6, v16;
	v3 =	vor.u32 v7, v3  }
0x70: {  	v0 =	vand.u32 $0x180, v51;
	v52 =	vor.u32 v48, v49;
	v5 =	vor.u32 v5, v6;
	[tilespmem:s28+$0xFFFFFFC0] =	vst v15;
	v53 =	vld.idx.msk [tilespmem:v18+s1+$0x0], $0xffff  }
0x71: {  	v1 =	vand.u32 $0x180, v47;
	v54 =	vor.u32 v50, v45;
	v0 =	vor.u32 v0, v52;
	v4 =	vld.idx.msk [tilespmem:v4+s14+$0x0], $0xffff;
	[tilespmem:s28+$0x20] =	vst v21  }
0x72: {  	[tilespmem:s29+$0x0] =	vst v11;
	v1 =	vor.u32 v1, v54;
	v56 =	vld.idx.msk [tilespmem:v2+s14+$0x0], $0xffff  }
0x73: {  	[tilespmem:s29+$0xFFFFFFD0] =	vst v9;
	v55 =	vld.idx.msk [tilespmem:v12+s1+$0x0], $0xffff  }
0x74: {  	[tilespmem:s29+$0xFFFFFFE0] =	vst v10;
	v57 =	vld.idx.msk [tilespmem:v3+s1+$0x0], $0xffff  }
0x75: {  	s8 =	sadd.s32 $0x200, s8;
	v58 =	vld.idx.msk [tilespmem:v5+s1+$0x0], $0xffff;
	[tilespmem:s28+$0x30] =	vst v53  }
0x76: {  	v59 =	vld.idx.msk [tilespmem:v0+s1+$0x0], $0xffff;
	[tilespmem:s8+$0xFFFFFFC0] =	vst v4  }
0x77: {  	v60 =	vld.idx.msk [tilespmem:v1+s1+$0x0], $0xffff;
	[tilespmem:s8+$0x20] =	vst v56  }
0x78: {  	v61 =	vld.idx.msk [tilespmem:v18+s14+$0x0], $0xffff;
	[tilespmem:s28+$0x10] =	vst v55  }
0x79: {  	[tilespmem:s28+$0xFFFFFFF0] =	vst v57;
	v62 =	vld.idx.msk [tilespmem:v12+s14+$0x0], $0xffff  }
0x7a: {  	[tilespmem:s28+$0x0] =	vst v58;
	v3 =	vld.idx.msk [tilespmem:v3+s14+$0x0], $0xffff  }
0x7b: {  	[tilespmem:s28+$0xFFFFFFD0] =	vst v59;
	v63 =	vld.idx.msk [tilespmem:v5+s14+$0x0], $0xffff  }
0x7c: {  	s5 =	sadd.s32 $0x1, s5;
	[tilespmem:s28+$0xFFFFFFE0] =	vst v60;
	v0 =	vld.idx.msk [tilespmem:v0+s14+$0x0], $0xffff  }
0x7d: {  	p1 =	sne.s32 s5, $0x4;
	v1 =	vld.idx.msk [tilespmem:v1+s14+$0x0], $0xffff;
	[tilespmem:s8+$0x30] =	vst v61  }
.Ltmp1:
0x7e: {  	[tilespmem:s8+$0x10] =	vst v62;
	(pc) =	sbr.rel @p1 .LBB2_3-.Ltmp1, $4  }
0x7f: {  	[tilespmem:s8+$0xFFFFFFF0] =	vst v3  }
0x80: {  	[tilespmem:s8+$0x0] =	vst v63  }
0x81: {  	[tilespmem:s8+$0xFFFFFFD0] =	vst v0  }
0x82: {  	s30 =	sadd.s32 $0x80, s30;
	s9 =	sadd.s32 $0x80, s9;
	s13 =	sadd.s32 $0x80, s13;
	[tilespmem:s8+$0xFFFFFFE0] =	vst v1  }
0x83: {  	s5 =	sadd.s32 s6, s2;
	p1 =	seq.s32 s31, $0xF  }
0x84: {  	[hbm4b:s5+s16] =	stream.strided.scatter [tilespmem:s22], [sflag:$0x3], $0x1000, s17, s16, $0x38;
	[tilespmem:$0x12000] =	vst v63  }
0x85: {  	s30 =	sadd.s32 s7, s2;
	s2 =	sadd.s32 @!p1 s18, s12  }
0x86: {  	s8 =	simm.s32 @!p1 $0x200;
	s9 =	simm.s32 @!p1 $0x400;
	s5 =	sshll.u32 @!p1 s2, $0x9  }
0x87: {  	[hbm4b:s30+s16] =	stream.strided.scatter [tilespmem:s23], [sflag:$0x3], $0x1000, s17, s16, $0x38;
	[tilespmem:$0x12000] =	vst v63  }
0x88: {  	s13 =	simm.s32 @!p1 $0x0;
	s2 =	sshll.u32 @!p1 s2, $0x7;
	s5 =	sadd.s32 @!p1 s3, s5  }
0x89: {  	[tilespmem:s13], [sflag:$0x1] =	stream.strided.gather @!p1 [hbm4b:s5+s8], $0x4000, s9, s8, $0x38;
	[tilespmem:$0x12000] =	vst v63  }
0x8a: {  	s2 =	sadd.s32 @!p1 s4, s2;
	s5 =	simm.s32 @!p1 $0x8000  }
0x8b: {  	[tilespmem:s5], [sflag:$0x1] =	stream.strided.gather @!p1 [hbm4b:s2+s8], $0x1000, s9, s8, $0x38;
	[tilespmem:$0x12000] =	vst v63  }
0x8c: {  	_ =	swait.ge [sflag:s24], $0x4000  }
0x8d: {  	[sflag:s24] =	ssyncset.done $0x0  }
0x8e: {  	[sflag:s24] =	ssyncadd.s32 $0xFFFFC000  }
0x8f: {  	_ =	swait.ge [sflag:s24], $0x1000  }
0x90: {  	[sflag:s24] =	ssyncset.done $0x0  }
0x91: {  	s2 =	simm.s32 @!p0 $0x4;
	[sflag:s24] =	ssyncadd.s32 $0xFFFFF000  }
0x92: {  	_ =	swait.ge @!p0 [sflag:s2], $0x1000  }
0x93: {  	[sflag:s2] =	ssyncset.done @!p0 $0x0  }
0x94: {  	[sflag:s2] =	ssyncadd.s32 @!p0 $0xFFFFF000  }
0x95: {  	_ =	swait.ge @!p0 [sflag:s2], $0x1000  }
0x96: {  	s5 =	simm.s32 $0x11040;
	s8 =	simm.s32 $0xF040;
	[sflag:s2] =	ssyncset.done @!p0 $0x0  }
0x97: {  	s9 =	simm.s32 $0x9040;
	[sflag:s2] =	ssyncadd.s32 @!p0 $0xFFFFF000;
	s2 =	simm.s32 $0x0  }
.LBB2_7:
0x98: {  	v0 =	vld [tilespmem:s9+$0xFFFFFFC0]  }
0x99: {  	v1 =	vld [tilespmem:s9+$0x20];
	_ =	sdelay $0x1  }
0x9a: {  	v7 =	vld [tilespmem:s9+$0x10];
	_ =	sdelay $0x1  }
0x9b: {  	v4 =	vld [tilespmem:s9+$0x0]  }
0x9c: {  	v3 =	vshll.u32 v0, $0x2;
	v5 =	vand.u32 $0xFFFFC07F, v0;
	v6 =	vshll.u32 v1, $0x2  }
0x9d: {  	v0 =	vshrl.u32 v0, $0x5;
	v8 =	vand.u32 $0xFFFFC07F, v1;
	v1 =	vshrl.u32 v1, $0x5  }
0x9e: {  	v2 =	vld [tilespmem:s9+$0xFFFFFFF0];
	v9 =	vshrl.u32 v7, $0x5;
	v10 =	vand.u32 $0xFFFFC07F, v7;
	v3 =	vand.u32 $0x3E00, v3  }
0x9f: {  	v0 =	vand.u32 $0x180, v0;
	v3 =	vor.u32 v3, v5;
	v5 =	vand.u32 $0x3E00, v6;
	v6 =	vld [tilespmem:s9+$0x30]  }
0xa0: {  	v7 =	vshll.u32 v7, $0x2;
	v16 =	vshll.u32 v4, $0x2;
	v3 =	vor.u32 v0, v3  }
0xa1: {  	v12 =	vld [tilespmem:s9+$0xFFFFFFE0];
	s13 =	sadd.s32 $0x200, s9;
	v7 =	vand.u32 $0x3E00, v7;
	v5 =	vor.u32 v5, v8;
	v0 =	vand.u32 $0x180, v1  }
0xa2: {  	v20 =	vld [tilespmem:s13+$0x20];
	v9 =	vand.u32 $0x180, v9;
	v7 =	vor.u32 v7, v10;
	v5 =	vor.u32 v0, v5  }
0xa3: {  	v1 =	vshrl.u32 v4, $0x5;
	v8 =	vld [tilespmem:s9+$0xFFFFFFD0];
	v7 =	vor.u32 v9, v7;
	v4 =	vand.u32 $0xFFFFC07F, v4  }
0xa4: {  	v22 =	vld [tilespmem:s13+$0x10];
	v9 =	vand.u32 $0x3E00, v16;
	v0 =	vshrl.u32 v2, $0x5;
	v11 =	vshll.u32 v6, $0x2  }
0xa5: {  	v13 =	vshrl.u32 v6, $0x5;
	v6 =	vand.u32 $0xFFFFC07F, v6;
	v11 =	vand.u32 $0x3E00, v11;
	v14 =	vld.idx.msk [tilespmem:v3+s19+$0x0], $0xffff  }
0xa6: {  	v16 =	vld [tilespmem:s13+$0xFFFFFFC0];
	v10 =	vand.u32 $0x180, v1;
	v13 =	vand.u32 $0x180, v13;
	v6 =	vor.u32 v11, v6  }
0xa7: {  	v15 =	vld.idx.msk [tilespmem:v5+s19+$0x0], $0xffff;
	v13 =	vor.u32 v13, v6;
	v6 =	vand.u32 $0xFFFFC07F, v2;
	v2 =	vshll.u32 v2, $0x2  }
0xa8: {  	v1 =	vld [tilespmem:s13+$0xFFFFFFE0];
	v4 =	vor.u32 v9, v4;
	v19 =	vshll.u32 v8, $0x2;
	v2 =	vand.u32 $0x3E00, v2  }
0xa9: {  	v11 =	vand.u32 $0x180, v0;
	v0 =	vld [tilespmem:s13+$0xFFFFFFD0];
	v2 =	vor.u32 v2, v6;
	v6 =	vshrl.u32 v8, $0x5  }
0xaa: {  	[tilespmem:s8+$0xFFFFFFC0] =	vst v14;
	v14 =	vand.u32 $0x3E00, v19;
	v19 =	vand.u32 $0xFFFFC07F, v8;
	v8 =	vor.u32 v11, v2;
	v2 =	vld.idx.msk [tilespmem:v7+s19+$0x0], $0xffff  }
0xab: {  	v10 =	vor.u32 v10, v4;
	v21 =	vld.idx.msk [tilespmem:v3+s14+$0x0], $0xffff  }
0xac: {  	v17 =	vshll.u32 v12, $0x2;
	v18 =	vand.u32 $0xFFFFC07F, v12;
	v12 =	vshrl.u32 v12, $0x5;
	[tilespmem:s8+$0x20] =	vst v15;
	v9 =	vld.idx.msk [tilespmem:v13+s19+$0x0], $0xffff  }
0xad: {  	v6 =	vand.u32 $0x180, v6;
	v3 =	vand.u32 $0x3E00, v17;
	v11 =	vor.u32 v14, v19;
	v15 =	vld.idx.msk [tilespmem:v5+s14+$0x0], $0xffff  }
0xae: {  	v4 =	vor.u32 v3, v18;
	v5 =	vand.u32 $0x180, v12;
	v17 =	vor.u32 v6, v11;
	v3 =	vld [tilespmem:s13+$0xFFFFFFF0]  }
0xaf: {  	v6 =	vld [tilespmem:s13+$0x0];
	v19 =	vor.u32 v5, v4;
	v4 =	vshll.u32 v16, $0x2  }
0xb0: {  	v14 =	vshll.u32 v20, $0x2;
	v11 =	vld.idx.msk [tilespmem:v10+s19+$0x0], $0xffff;
	v12 =	vand.u32 $0xFFFFC07F, v16;
	v4 =	vand.u32 $0x3E00, v4  }
0xb1: {  	v5 =	vld.idx.msk [tilespmem:v8+s19+$0x0], $0xffff;
	v4 =	vor.u32 v4, v12;
	v12 =	vand.u32 $0x3E00, v14;
	v14 =	vshrl.u32 v16, $0x5;
	[tilespmem:s8+$0x10] =	vst v2  }
0xb2: {  	v2 =	vand.u32 $0x180, v14;
	v14 =	vld.idx.msk [tilespmem:v7+s14+$0x0], $0xffff  }
0xb3: {  	v18 =	vld.idx.msk [tilespmem:v17+s19+$0x0], $0xffff  }
0xb4: {  	v16 =	vshrl.u32 v20, $0x5;
	[tilespmem:s8+$0x30] =	vst v9;
	v9 =	vand.u32 $0xFFFFC07F, v20;
	v20 =	vld [tilespmem:s13+$0x30];
	v4 =	vor.u32 v2, v4  }
0xb5: {  	v26 =	vshrl.u32 v22, $0x5;
	[tilespmem:s5+$0xFFFFFFC0] =	vst v21;
	v23 =	vld.idx.msk [tilespmem:v19+s19+$0x0], $0xffff  }
0xb6: {  	v21 =	vshrl.u32 v3, $0x5;
	v2 =	vand.u32 $0x180, v16;
	[tilespmem:s8+$0x0] =	vst v11;
	v9 =	vor.u32 v12, v9;
	v24 =	vld.idx.msk [tilespmem:v13+s14+$0x0], $0xffff  }
0xb7: {  	v25 =	vshrl.u32 v6, $0x5;
	v16 =	vand.u32 $0xFFFFC07F, v6;
	v11 =	vld.idx.msk [tilespmem:v10+s14+$0x0], $0xffff;
	v2 =	vor.u32 v2, v9;
	[tilespmem:s8+$0xFFFFFFF0] =	vst v5  }
0xb8: {  	[tilespmem:s5+$0x20] =	vst v15;
	v12 =	vand.u32 $0xFFFFC07F, v22;
	v7 =	vand.u32 $0x180, v21;
	v5 =	vand.u32 $0x180, v25;
	v13 =	vld.idx.msk [tilespmem:v8+s14+$0x0], $0xffff  }
0xb9: {  	v8 =	vand.u32 $0xFFFFC07F, v3;
	[tilespmem:s8+$0xFFFFFFD0] =	vst v18;
	v10 =	vshll.u32 v20, $0x2;
	v18 =	vshrl.u32 v20, $0x5;
	v15 =	vld.idx.msk [tilespmem:v4+s19+$0x0], $0xffff  }
0xba: {  	s20 =	simm.s32 $0x8;
	v20 =	vand.u32 $0xFFFFC07F, v20;
	v9 =	vld.idx.msk [tilespmem:v17+s14+$0x0], $0xffff;
	[tilespmem:s8+$0xFFFFFFE0] =	vst v23;
	v21 =	vand.u32 $0x3E00, v10;
	v18 =	vand.u32 $0x180, v18  }
0xbb: {  	s15 =	sadd.s32 $0x200, s8;
	s28 =	smov.u32 s5;
	s18 =	smov.u32 s5;
	v17 =	vand.u32 $0x180, v26;
	[tilespmem:s5+$0x30] =	vst v24;
	v10 =	vld.idx.msk [tilespmem:v19+s14+$0x0], $0xffff;
	v19 =	vshll.u32 v22, $0x2;
	v20 =	vor.u32 v21, v20  }
.LBB2_8:
0xbc: {  	s20 =	sadd.s32 $0x8, s20;
	v6 =	vshll.u32 v6, $0x2;
	v19 =	vand.u32 $0x3E00, v19;
	v21 =	vld.idx.msk [tilespmem:v2+s19+$0x0], $0xffff;
	v18 =	vor.u32 v18, v20;
	s13 =	sadd.s32 $0x200, s13;
	[tilespmem:s28+$0x10] =	vst v14;
	s18 =	sadd.s32 $0x200, s18  }
0xbd: {  	v3 =	vshll.u32 v3, $0x2;
	v14 =	vld [tilespmem:s13+$0xFFFFFFD0];
	p0 =	slt.u32 s20, $0x38;
	v6 =	vand.u32 $0x3E00, v6;
	v12 =	vor.u32 v19, v12;
	[tilespmem:s28+$0xFFFFFFF0] =	vst v13  }
0xbe: {  	v20 =	vand.u32 $0xFFFFC07F, v1;
	v19 =	vshll.u32 v1, $0x2;
	v13 =	vld [tilespmem:s13+$0xFFFFFFE0];
	v17 =	vor.u32 v17, v12;
	[tilespmem:s28+$0x0] =	vst v11  }
0xbf: {  	v1 =	vshrl.u32 v1, $0x5;
	v12 =	vshll.u32 v0, $0x2;
	v6 =	vor.u32 v6, v16;
	v11 =	vld [tilespmem:s13+$0xFFFFFFC0];
	[tilespmem:s28+$0xFFFFFFD0] =	vst v9  }
0xc0: {  	v16 =	vand.u32 $0xFFFFC07F, v0;
	v19 =	vand.u32 $0x3E00, v19;
	v12 =	vand.u32 $0x3E00, v12;
	v9 =	vld [tilespmem:s13+$0x20];
	[tilespmem:s28+$0xFFFFFFE0] =	vst v10;
	s28 =	smov.u32 s18  }
0xc1: {  	v3 =	vand.u32 $0x3E00, v3;
	v10 =	vor.u32 v12, v16;
	v12 =	vor.u32 v19, v20;
	[tilespmem:s15+$0xFFFFFFC0] =	vst v15;
	v15 =	vld.idx.msk [tilespmem:v18+s19+$0x0], $0xffff  }
0xc2: {  	v3 =	vor.u32 v3, v8;
	v16 =	vshrl.u32 v0, $0x5;
	v20 =	vand.u32 $0x180, v1;
	v4 =	vld.idx.msk [tilespmem:v4+s14+$0x0], $0xffff;
	[tilespmem:s15+$0x20] =	vst v21;
	v0 =	vmovc v14  }
0xc3: {  	v7 =	vor.u32 v7, v3;
	v8 =	vand.u32 $0x180, v16;
	v19 =	vor.u32 v20, v12;
	v12 =	vld.idx.msk [tilespmem:v17+s19+$0x0], $0xffff;
	v1 =	vmovc v13  }
0xc4: {  	v16 =	vor.u32 v5, v6;
	v10 =	vor.u32 v8, v10;
	v3 =	vshll.u32 v11, $0x2;
	v2 =	vld.idx.msk [tilespmem:v2+s14+$0x0], $0xffff  }
0xc5: {  	v6 =	vand.u32 $0xFFFFC07F, v11;
	v5 =	vand.u32 $0x3E00, v3;
	v3 =	vld [tilespmem:s13+$0xFFFFFFF0];
	v8 =	vshll.u32 v9, $0x2  }
0xc6: {  	v13 =	vand.u32 $0xFFFFC07F, v9;
	v5 =	vor.u32 v5, v6;
	v6 =	vld [tilespmem:s13+$0x0];
	v8 =	vand.u32 $0x3E00, v8  }
0xc7: {  	v11 =	vshrl.u32 v11, $0x5;
	v9 =	vshrl.u32 v9, $0x5;
	v20 =	vld [tilespmem:s13+$0x10];
	v8 =	vor.u32 v8, v13;
	[tilespmem:s15+$0x30] =	vst v15  }
0xc8: {  	[tilespmem:s18+$0xFFFFFFC0] =	vst v4;
	v13 =	vld.idx.msk [tilespmem:v7+s19+$0x0], $0xffff  }
0xc9: {  	v15 =	vld.idx.msk [tilespmem:v16+s19+$0x0], $0xffff;
	[tilespmem:s15+$0x10] =	vst v12  }
0xca: {  	v21 =	vshrl.u32 v3, $0x5;
	v22 =	vld.idx.msk [tilespmem:v10+s19+$0x0], $0xffff;
	[tilespmem:s18+$0x20] =	vst v2  }
0xcb: {  	v23 =	vshrl.u32 v6, $0x5;
	v24 =	vld.idx.msk [tilespmem:v19+s19+$0x0], $0xffff  }
0xcc: {  	v25 =	vshrl.u32 v20, $0x5;
	v12 =	vand.u32 $0xFFFFC07F, v20;
	v26 =	vld [tilespmem:s13+$0x30]  }
0xcd: {  	v2 =	vand.u32 $0x180, v11;
	v27 =	vld.idx.msk [tilespmem:v18+s14+$0x0], $0xffff  }
0xce: {  	v4 =	vor.u32 v2, v5;
	v2 =	vand.u32 $0x180, v9;
	[tilespmem:s15+$0xFFFFFFF0] =	vst v13;
	v14 =	vld.idx.msk [tilespmem:v17+s14+$0x0], $0xffff  }
.Ltmp2:
0xcf: {  	v2 =	vor.u32 v2, v8;
	v13 =	vld.idx.msk [tilespmem:v7+s14+$0x0], $0xffff;
	[tilespmem:s15+$0x0] =	vst v15;
	(pc) =	sbr.rel @p0 .LBB2_8-.Ltmp2, $4  }
0xd0: {  	v8 =	vand.u32 $0xFFFFC07F, v3;
	v5 =	vand.u32 $0x180, v23;
	v7 =	vand.u32 $0x180, v21;
	[tilespmem:s15+$0xFFFFFFD0] =	vst v22;
	v11 =	vld.idx.msk [tilespmem:v16+s14+$0x0], $0xffff  }
0xd1: {  	v15 =	vshll.u32 v26, $0x2;
	v17 =	vshrl.u32 v26, $0x5;
	v21 =	vand.u32 $0xFFFFC07F, v26;
	v9 =	vld.idx.msk [tilespmem:v10+s14+$0x0], $0xffff;
	[tilespmem:s15+$0xFFFFFFE0] =	vst v24  }
0xd2: {  	v16 =	vand.u32 $0xFFFFC07F, v6;
	v22 =	vand.u32 $0x3E00, v15;
	v18 =	vand.u32 $0x180, v17;
	v10 =	vld.idx.msk [tilespmem:v19+s14+$0x0], $0xffff  }
0xd3: {  	s15 =	sadd.s32 $0x200, s15;
	v19 =	vshll.u32 v20, $0x2;
	v17 =	vand.u32 $0x180, v25;
	v15 =	vld.idx.msk [tilespmem:v4+s19+$0x0], $0xffff;
	v20 =	vor.u32 v22, v21;
	[tilespmem:s18+$0x30] =	vst v27  }
0xd4: {  	_ = 	snop  }
0xd5: {  	v6 =	vshll.u32 v6, $0x2  }
0xd6: {  	v19 =	vand.u32 $0x3E00, v19;
	v18 =	vor.u32 v18, v20;
	v3 =	vshll.u32 v3, $0x2  }
0xd7: {  	v44 =	vshll.u32 v1, $0x2;
	v45 =	vand.u32 $0xFFFFC07F, v1;
	v46 =	vshll.u32 v0, $0x2  }
0xd8: {  	v21 =	vld.idx.msk [tilespmem:v2+s19+$0x0], $0xffff;
	v47 =	vshrl.u32 v1, $0x5;
	v49 =	vand.u32 $0xFFFFC07F, v0;
	v51 =	vshrl.u32 v0, $0x5  }
0xd9: {  	v6 =	vand.u32 $0x3E00, v6;
	v12 =	vor.u32 v19, v12;
	v3 =	vand.u32 $0x3E00, v3  }
0xda: {  	[tilespmem:s28+$0x10] =	vst v14;
	v48 =	vand.u32 $0x3E00, v46;
	v12 =	vor.u32 v17, v12;
	v3 =	vor.u32 v3, v8  }
0xdb: {  	[tilespmem:s28+$0xFFFFFFF0] =	vst v13;
	v50 =	vand.u32 $0x3E00, v44;
	v6 =	vor.u32 v6, v16;
	v3 =	vor.u32 v7, v3  }
0xdc: {  	v0 =	vand.u32 $0x180, v51;
	v52 =	vor.u32 v48, v49;
	v5 =	vor.u32 v5, v6;
	[tilespmem:s15+$0xFFFFFFC0] =	vst v15;
	v53 =	vld.idx.msk [tilespmem:v18+s19+$0x0], $0xffff  }
0xdd: {  	v1 =	vand.u32 $0x180, v47;
	v54 =	vor.u32 v50, v45;
	v0 =	vor.u32 v0, v52;
	v4 =	vld.idx.msk [tilespmem:v4+s14+$0x0], $0xffff;
	[tilespmem:s15+$0x20] =	vst v21  }
0xde: {  	[tilespmem:s28+$0x0] =	vst v11;
	v1 =	vor.u32 v1, v54;
	v56 =	vld.idx.msk [tilespmem:v2+s14+$0x0], $0xffff  }
0xdf: {  	[tilespmem:s28+$0xFFFFFFD0] =	vst v9;
	v55 =	vld.idx.msk [tilespmem:v12+s19+$0x0], $0xffff  }
0xe0: {  	[tilespmem:s28+$0xFFFFFFE0] =	vst v10;
	v57 =	vld.idx.msk [tilespmem:v3+s19+$0x0], $0xffff  }
0xe1: {  	s13 =	sadd.s32 $0x200, s18;
	v58 =	vld.idx.msk [tilespmem:v5+s19+$0x0], $0xffff;
	[tilespmem:s15+$0x30] =	vst v53  }
0xe2: {  	v59 =	vld.idx.msk [tilespmem:v0+s19+$0x0], $0xffff;
	[tilespmem:s13+$0xFFFFFFC0] =	vst v4  }
0xe3: {  	v60 =	vld.idx.msk [tilespmem:v1+s19+$0x0], $0xffff;
	[tilespmem:s13+$0x20] =	vst v56  }
0xe4: {  	v61 =	vld.idx.msk [tilespmem:v18+s14+$0x0], $0xffff;
	[tilespmem:s15+$0x10] =	vst v55  }
0xe5: {  	[tilespmem:s15+$0xFFFFFFF0] =	vst v57;
	v62 =	vld.idx.msk [tilespmem:v12+s14+$0x0], $0xffff  }
0xe6: {  	[tilespmem:s15+$0x0] =	vst v58;
	v3 =	vld.idx.msk [tilespmem:v3+s14+$0x0], $0xffff  }
0xe7: {  	[tilespmem:s15+$0xFFFFFFD0] =	vst v59;
	v63 =	vld.idx.msk [tilespmem:v5+s14+$0x0], $0xffff  }
0xe8: {  	s2 =	sadd.s32 $0x1, s2;
	[tilespmem:s15+$0xFFFFFFE0] =	vst v60;
	v0 =	vld.idx.msk [tilespmem:v0+s14+$0x0], $0xffff  }
0xe9: {  	p0 =	sne.s32 s2, $0x4;
	v1 =	vld.idx.msk [tilespmem:v1+s14+$0x0], $0xffff;
	[tilespmem:s13+$0x30] =	vst v61  }
.Ltmp3:
0xea: {  	[tilespmem:s13+$0x10] =	vst v62;
	(pc) =	sbr.rel @p0 .LBB2_7-.Ltmp3, $4  }
0xeb: {  	[tilespmem:s13+$0xFFFFFFF0] =	vst v3  }
0xec: {  	[tilespmem:s13+$0x0] =	vst v63  }
0xed: {  	[tilespmem:s13+$0xFFFFFFD0] =	vst v0  }
0xee: {  	s5 =	sadd.s32 $0x80, s5;
	s8 =	sadd.s32 $0x80, s8;
	s9 =	sadd.s32 $0x80, s9;
	[tilespmem:s13+$0xFFFFFFE0] =	vst v1  }
0xef: {  	s31 =	sadd.s32 $0x1, s31  }
0xf0: {  	p0 =	sne.s32 s31, $0x10  }
.Ltmp4:
0xf1: {  	_ = 	snop;
	(pc) =	sbr.rel @p0 .LBB2_2-.Ltmp4, $4  }
0xf2: {  	s2 =	sadd.s32 s6, s0  }
0xf3: {  	[hbm4b:s2+s16] =	stream.strided.scatter [tilespmem:s25], [sflag:$0x4], $0x1000, s17, s16, $0x38;
	[tilespmem:$0x12000] =	vst v63  }
0xf4: {  	s30 =	sadd.s32 s7, s0  }
0xf5: {  	[hbm4b:s30+s16] =	stream.strided.scatter [tilespmem:s26], [sflag:$0x4], $0x1000, s17, s16, $0x38;
	[tilespmem:$0x12000] =	vst v63  }
0xf6: {  	s0 =	simm.s32 $0x3  }
0xf7: {  	_ =	swait.ge [sflag:s0], $0x1000  }
0xf8: {  	[sflag:s0] =	ssyncset.done $0x0  }
0xf9: {  	[sflag:s0] =	ssyncadd.s32 $0xFFFFF000  }
0xfa: {  	_ =	swait.ge [sflag:s0], $0x1000  }
0xfb: {  	[sflag:s0] =	ssyncset.done $0x0  }
0xfc: {  	s2 =	simm.s32 $0x4;
	[sflag:s0] =	ssyncadd.s32 $0xFFFFF000  }
0xfd: {  	_ =	swait.ge [sflag:s2], $0x1000  }
0xfe: {  	[sflag:s2] =	ssyncset.done $0x0  }
0xff: {  	[sflag:s2] =	ssyncadd.s32 $0xFFFFF000  }
0x100: {  	_ =	swait.ge [sflag:s2], $0x1000  }
0x101: {  	s5 =	rddreg [dreg:$0x6]  }
0x102: {  	s31 =	rddreg [dreg:$0x5];
	s5 =	sadd.s32 $0x1, s5  }
0x103: {  	p0 =	sne.s32 s5, s31  }
.Ltmp5:
0x104: {  	_ = 	snop;
	(pc) =	sbr.rel @p0 .LBB2_1-.Ltmp5, $3  }
0x105: {  	_ =	sdelay $0x1  }
0x106: {  	[sflag:s2] =	ssyncset.done $0x0  }
0x107: {  	[sflag:s2] =	ssyncadd.s32 $0xFFFFF000  }
0x108: {  	_ =	sfence.sel $0x180000  }
0x109: {  	[bflag:$0x0] =	sbarrier.arrive $0xFFFF  }
0x10a: {  	_ =	strace $0x90000047  }
0x10b: {  	s0 =	stileid.u32;
	[bflag:$0x2] =	sbarrier.arrive $0xFFFF  }
0x10c: {  	p0 =	sne.s32 s0, $0x0;
	s0 =	rddreg [dreg:$0x1]  }
0x10d: {  	s0 =	sadd.s32 @!p0 $0x100000, s0  }
0x10e: {  	[sflag:s0] =	ssyncadd.tile.s32 @!p0 $0x1;
	_ =	shalt  }
.Lfunc_end2:
_tile_overlayer_lowered:
.L_overlay_start_2:
0x10f: {  	(tag) =	ssettag $0x2  }
0x110: {  	s0 =	rddreg [dreg:$0x0];
	s2 =	stileid.u32  }
0x111: {  	s1 =	rddreg [dreg:$0x1];
	p0 =	sne.s32 s2, $0x0  }
0x112: {  	s3 =	rddreg [dreg:$0x2];
	[bflag:$0x3] =	sbarrier.arrive $0xFFFF;
	s2 =	simm.s32 @!p0 $0x1C05  }
0x113: {  	[timem:s3], [sflag:s2] =	dma.local @!p0 [hbm:s0], s1  }
0x114: {  	s0 =	simm.s32 @!p0 $0x5  }
0x115: {  	_ =	swait.ge @!p0 [sflag:s0], s1  }
0x116: {  	s1 =	ssub.s32 @!p0 $0x0, s1;
	[sflag:s0] =	ssyncset.done @!p0 $0x0  }
0x117: {  	[sflag:s0] =	ssyncadd.s32 @!p0 s1  }
0x118: {  	[bflag:$0x3] =	sbarrier.arrive $0xFFFF  }
0x119: {  	_ =	shalt  }

// kernel: kernel.14.cloned.1.call-start
scs
__scs_entry_jumppad:
0x0: {  	(pc) =	sbr.rel $0x88, $3  }
0x1: {  	(tag) =	ssettag $0x0;
	lr =	simm.s32 $0x1  }
0x2: {  	[smem:$0x3F98] =	sst lr;
	_ =	strace $0xD0000000  }
0x3: {  	_ = 	snop  }
0x4: {  	_ = 	snop  }
0x5: {  	_ = 	snop  }
0x6: {  	_ = 	snop  }
0x7: {  	_ = 	snop  }
__scs_overlays_trampoline_lowered:
0x8: {  	[smem:$0x3FA7] =	sst s0  }
0x9: {  	[smem:$0x3FA8] =	sst s1  }
0xa: {  	[smem:$0x3FA9] =	sst s2  }
0xb: {  	[smem:$0x3FAA] =	sst s3  }
0xc: {  	[smem:$0x3FAB] =	sst s4  }
0xd: {  	[smem:$0x3FAC] =	sst s5  }
0xe: {  	[smem:$0x3FAD] =	sst s6  }
0xf: {  	[smem:$0x3FAE] =	sst s7  }
0x10: {  	[smem:$0x3FAF] =	sst s8  }
0x11: {  	[smem:$0x3FB0] =	sst s9;
	s0 =	simm.s32 @!p0 $0x0  }
0x12: {  	s1 =	sld [smem:$0x3F96];
	s0 =	simm.s32 @p0 $0x1  }
0x13: {  	[smem:$0x3FB1] =	sst s0;
	s0 =	simm.s32 @!p1 $0x0  }
0x14: {  	s2 =	sld [smem:$0x3F95];
	s0 =	simm.s32 @p1 $0x1  }
0x15: {  	[smem:$0x3FB2] =	sst s0;
	s0 =	simm.s32 @!p2 $0x0  }
0x16: {  	s3 =	sld [smem:$0x3FDB];
	s0 =	simm.s32 @p2 $0x1  }
0x17: {  	s4 =	simm.s32 $0x1BF5;
	[smem:$0x3FB4] =	sst s0  }
0x18: {  	s0 =	sld [smem:$0x3F97];
	_ =	swait.ge [sflag:s4], $0x0  }
0x19: {  	s7 =	sld [smem:$0x3F98]  }
0x1a: {  	s8 =	sadd.s32 $0xFFFFE003, lr  }
0x1b: {  	s9 =	sadd.s32 $0xFFFFFEF7, lr;
	s5 =	simm.s32 $0xFFFFFFFF;
	p2 =	slt.u32 s8, $0xFFFFF086  }
0x1c: {  	p1 =	slt.u32 s9, $0xF7A;
	s5 =	simm.s32 @!p2 $0x0  }
0x1d: {  	s5 =	simm.s32 @p1 $0x1;
	p0 =	seq.s32 s7, s2  }
0x1e: {  	s7 =	smul.u32 @!p0 $0xF7A, s2;
	p2 =	seq.s32 @!p0 s5, $0x0  }
0x1f: {  	s9 =	smul.u32 $0xF7A, s1;
	s8 =	simm.s32 @!p0 $0x1BF5;
	p2 =	por !p2, p0  }
0x20: {  	[sflag:s8] =	ssyncset.s32 @!p0 $0xFFFFF086;
	s6 =	sadd.s32 @!p0 s3, s7;
	s7 =	simm.s32 @!p0 $0x108  }
0x21: {  	s3 =	sadd.s32 s3, s9;
	s6 =	sadd.s32 @!p0 $0x88, s6;
	s7 =	simm.s32 @p2 $0x1082  }
0x22: {  	[simem:s7], [sflag:s8] =	dma.local @!p0 [hbm:s6], $0xF7A  }
0x23: {  	s9 =	sor.u32 $0xD0000000, s2;
	s6 =	simm.s32 $0x108;
	_ =	swait.ge @!p0 [sflag:s8], $0x0  }
0x24: {  	s3 =	sadd.s32 $0x88, s3;
	s6 =	simm.s32 @!p1 $0x1082;
	[sflag:s4] =	ssyncset.s32 $0xFFFFF086  }
0x25: {  	[simem:s6], [sflag:s4] =	dma.local [hbm:s3], $0xF7A  }
0x26: {  	[smem:$0x3F98] =	sst s1;
	(tag) =	ssettag s2;
	_ =	strace s9  }
0x27: {  	s1 =	sld [smem:$0x3FA8]  }
0x28: {  	s2 =	sld [smem:$0x3FA9]  }
0x29: {  	s4 =	sld [smem:$0x3FAB]  }
0x2a: {  	p0 =	seq.s32 s5, $0x0;
	s5 =	sld [smem:$0x3FAC]  }
0x2b: {  	s6 =	sld [smem:$0x3FAD]  }
0x2c: {  	s7 =	sld [smem:$0x3FAE]  }
0x2d: {  	s3 =	simm.s32 $0x108;
	s8 =	sld [smem:$0x3FAF]  }
0x2e: {  	s3 =	simm.s32 @!p0 $0x1082;
	s9 =	sld [smem:$0x3FB0]  }
0x2f: {  	lr =	sadd.s32 s0, s3;
	s0 =	sld [smem:$0x3FA7]  }
0x30: {  	s3 =	sld [smem:$0x3FAA]  }
0x31: {  	[smem:$0x3FB3] =	sst s10  }
0x32: {  	s10 =	sld [smem:$0x3FB1];
	_ =	sdelay $0x3  }
0x33: {  	p0 =	seq.s32 s10, $0x1;
	s10 =	sld [smem:$0x3FB3];
	_ =	sdelay $0x3  }
0x34: {  	[smem:$0x3FB3] =	sst s10  }
0x35: {  	s10 =	sld [smem:$0x3FB2];
	_ =	sdelay $0x3  }
0x36: {  	p1 =	seq.s32 s10, $0x1;
	s10 =	sld [smem:$0x3FB3];
	_ =	sdelay $0x3  }
0x37: {  	[smem:$0x3FB3] =	sst s10  }
0x38: {  	s10 =	sld [smem:$0x3FB4]  }
0x39: {  	_ = 	snop;
	(pc) =	sbr.ind lr, $3  }
0x3a: {  	_ = 	snop  }
0x3b: {  	_ = 	snop  }
0x3c: {  	p2 =	seq.s32 s10, $0x1;
	s10 =	sld [smem:$0x3FB3]  }
0x3d: {  	_ =	shalt  }
0x3e: {  	_ =	shalt  }
0x3f: {  	_ =	shalt  }
0x40: {  	_ =	shalt  }
0x41: {  	_ =	shalt  }
0x42: {  	_ =	shalt  }
0x43: {  	_ =	shalt  }
0x44: {  	_ =	shalt  }
0x45: {  	_ =	shalt  }
0x46: {  	_ =	shalt  }
0x47: {  	_ =	shalt  }
0x48: {  	_ =	shalt  }
0x49: {  	_ =	shalt  }
0x4a: {  	_ =	shalt  }
0x4b: {  	_ =	shalt  }
0x4c: {  	_ =	shalt  }
0x4d: {  	_ =	shalt  }
0x4e: {  	_ =	shalt  }
0x4f: {  	_ =	shalt  }
0x50: {  	_ =	shalt  }
0x51: {  	_ =	shalt  }
0x52: {  	_ =	shalt  }
0x53: {  	_ =	shalt  }
0x54: {  	_ =	shalt  }
0x55: {  	_ =	shalt  }
0x56: {  	_ =	shalt  }
0x57: {  	_ =	shalt  }
0x58: {  	_ =	shalt  }
0x59: {  	_ =	shalt  }
0x5a: {  	_ =	shalt  }
0x5b: {  	_ =	shalt  }
0x5c: {  	_ =	shalt  }
0x5d: {  	_ =	shalt  }
0x5e: {  	_ =	shalt  }
0x5f: {  	_ =	shalt  }
0x60: {  	_ =	shalt  }
0x61: {  	_ =	shalt  }
0x62: {  	_ =	shalt  }
0x63: {  	_ =	shalt  }
0x64: {  	_ =	shalt  }
0x65: {  	_ =	shalt  }
0x66: {  	_ =	shalt  }
0x67: {  	_ =	shalt  }
0x68: {  	_ =	shalt  }
0x69: {  	_ =	shalt  }
0x6a: {  	_ =	shalt  }
0x6b: {  	_ =	shalt  }
0x6c: {  	_ =	shalt  }
0x6d: {  	_ =	shalt  }
0x6e: {  	_ =	shalt  }
0x6f: {  	_ =	shalt  }
0x70: {  	_ =	shalt  }
0x71: {  	_ =	shalt  }
0x72: {  	_ =	shalt  }
0x73: {  	_ =	shalt  }
0x74: {  	_ =	shalt  }
0x75: {  	_ =	shalt  }
0x76: {  	_ =	shalt  }
0x77: {  	_ =	shalt  }
0x78: {  	_ =	shalt  }
0x79: {  	_ =	shalt  }
0x7a: {  	_ =	shalt  }
0x7b: {  	_ =	shalt  }
0x7c: {  	_ =	shalt  }
0x7d: {  	_ =	shalt  }
0x7e: {  	_ =	shalt  }
0x7f: {  	_ =	shalt  }
0x80: {  	_ =	shalt  }
0x81: {  	_ =	shalt  }
0x82: {  	_ =	shalt  }
0x83: {  	_ =	shalt  }
0x84: {  	_ =	shalt  }
0x85: {  	_ =	shalt  }
0x86: {  	_ =	shalt  }
0x87: {  	_ =	shalt  }
.Lfunc_end0:
.L_simem_size_0:
called_computation.1_lowered:
.L_overlay_start_0:
0x88: {  	s2 =	sld [smem:$0x3FD9]  }
0x89: {  	s3 =	sld [smem:$0x3FFE];
	_ =	sdelay $0x1  }
0x8a: {  	s1 =	srdreg.scid  }
0x8b: {  	s0 =	sand.u32 $0x1, s1  }
0x8c: {  	s15 =	sshll.u32 s0, $0xA;
	s2 =	sadd.s32 s3, s2  }
0x8d: {  	s2 =	sadd.s32 s2, s15  }
0x8e: {  	[smem:$0x3FBF] =	sst s2  }
0x8f: {  	_ = 	snop  }
0x90: {  	s2 =	sld [smem:$0x3FD0];
	_ =	sdelay $0x2  }
0x91: {  	s16 =	simm.s32 $0xB;
	s4 =	simm.s32 $0x10  }
0x92: {  	[smem:s4], [sflag:s16] =	dma.local [hbm:s2], $0x1  }
0x93: {  	_ =	swait.eq [sflag:s16], $0x1  }
0x94: {  	[sflag:s16] =	ssyncset.done $0x0  }
0x95: {  	[sflag:s16] =	ssyncadd.s32 $0xFFFFFFFF  }
0x96: {  	s17 =	sld [smem:$0x10];
	(tm) =	ssettm $0x1  }
0x97: {  	s18 =	sld [smem:$0x3FFB];
	_ =	sdelay $0x3  }
0x98: {  	_ =	strace s18  }
0x99: {  	s2 =	sld [smem:$0x3FFC];
	_ =	sdelay $0x3  }
0x9a: {  	_ =	strace s2  }
0x9b: {  	s2 =	sld [smem:$0x3FFD];
	_ =	sdelay $0x3  }
0x9c: {  	_ =	strace s2  }
0x9d: {  	_ =	strace $0x8FFFFFFF  }
0x9e: {  	s19 =	sld [smem:$0x3FDB];
	_ =	sdelay $0x1  }
0x9f: {  	s20 =	simm.s32 $_scs_section_size  }
0xa0: {  	s5 =	simm.s32 $_size__tile_overlayer_lowered;
	s6 =	simm.s32 $_tile_overlayer_lowered  }
0xa1: {  	s7 =	simm.s32 $0x1BFF;
	s21 =	sshll.u32 s6, $0x1;
	s4 =	sadd.s32 s20, s19  }
0xa2: {  	s22 =	simm.s32 $0x0;
	s5 =	sshll.u32 s5, $0x1;
	s6 =	sadd.s32 s21, s4  }
0xa3: {  	[timem:s22], [sflag:s7] =	dma.local [hbm:s6], s5  }
0xa4: {  	_ =	swait.ge [sflag:s7], s5  }
0xa5: {  	s5 =	ssub.s32 $0x0, s5;
	[sflag:s7] =	ssyncset.done $0x0  }
0xa6: {  	[sflag:s7] =	ssyncadd.s32 s5;
	_ =	sdelay $0x1  }
0xa7: {  	s23 =	simm.s32 $0x1B8B  }
0xa8: {  	_ =	swait.ge [sflag:s23], $0x1  }
0xa9: {  	[sflag:s23] =	ssyncset.done $0x0  }
0xaa: {  	[sflag:s23] =	ssyncadd.s32 $0xFFFFFFFF  }
0xab: {  	s5 =	sld [smem:$0x0]  }
0xac: {  	s6 =	sand.u32 $0xFFFFFFFE, s1  }
0xad: {  	p0 =	sne.s32 s1, s6  }
0xae: {  	s6 =	sshll.u32 @p0 s6, $0xE  }
0xaf: {  	s6 =	sadd.s32 @p0 $0x11B8D, s6;
	s7 =	sshll.u32 @p0 s5, $0x11  }
0xb0: {  	s6 =	sor.u32 @p0 s7, s6  }
0xb1: {  	[sflag:s6] =	ssyncadd.remote.s32 @p0 $0x1;
	_ =	sdelay $0x1  }
0xb2: {  	s6 =	simm.s32 @p0 $0x1B8D  }
0xb3: {  	_ =	swait.eq @p0 [sflag:s6], $0x1  }
0xb4: {  	[sflag:s6] =	ssyncadd.s32 @p0 $0xFFFFFFFF  }
0xb5: {  	s7 =	sshll.u32 @!p0 s1, $0xE  }
0xb6: {  	s7 =	sor.u32 @!p0 $0x4000, s7;
	s6 =	simm.s32 @!p0 $0x1B8D  }
0xb7: {  	s5 =	sshll.u32 @!p0 s5, $0x11;
	s7 =	sadd.s32 @!p0 $0x11B8D, s7;
	_ =	swait.eq @!p0 [sflag:s6], $0x1  }
0xb8: {  	s5 =	sor.u32 @!p0 s5, s7;
	[sflag:s6] =	ssyncadd.s32 @!p0 $0xFFFFFFFF  }
0xb9: {  	s25 =	simm.s32 $0x1B8E;
	s24 =	sld [smem:$0x3FFE];
	[sflag:s5] =	ssyncadd.remote.s32 @!p0 $0x1  }
0xba: {  	s26 =	simm.s32 $execute0_lowered;
	[smem:$0x3FD2] =	sst s25  }
0xbb: {  	s6 =	sshll.u32 s26, $0x1;
	_ =	strace $0x80000049;
	[dreg:$0x1] =	wrdreg $0xFFFFFFFF  }
0xbc: {  	s28 =	simm.s32 $_size_execute0_lowered;
	s4 =	sadd.s32 s4, s6;
	[dreg:$0x0] =	wrdreg $0x0  }
0xbd: {  	s6 =	sshll.u32 s28, $0x1;
	[dreg:$0x2] =	wrdreg s4  }
0xbe: {  	[dreg:$0x3] =	wrdreg s6  }
0xbf: {  	[dreg:$0x4] =	wrdreg $0xC0  }
0xc0: {  	_ =	task [dreg:s22], $0x5FFFF  }
0xc1: {  	[dreg:$0x1] =	wrdreg $0xFFFFFFFF  }
0xc2: {  	[dreg:$0x0] =	wrdreg $0x60  }
0xc3: {  	[dreg:$0x2] =	wrdreg s24  }
0xc4: {  	[dreg:$0x3] =	wrdreg s17  }
0xc5: {  	[dreg:$0x4] =	wrdreg $0xA  }
0xc6: {  	_ =	task.clear_ibuf [dreg:s22], $0x5FFFF;
	_ =	strace $0x90000049  }
0xc7: {  	s29 =	simm.s32 $0xA;
	_ =	strace $0x8000004B  }
0xc8: {  	_ =	swait.ge [sflag:s29], $0x1  }
0xc9: {  	[sflag:s29] =	ssyncadd.s32 $0xFFFFFFFF  }
0xca: {  	_ =	strace $0x9000004B  }
0xcb: {  	_ =	sfence  }
0xcc: {  	s30 =	sld [smem:$0x0];
	_ =	sdelay $0x2  }
0xcd: {  	s31 =	sshll.u32 s1, $0xD;
	s1 =	sshrl.u32 s1, $0x2  }
0xce: {  	s4 =	sand.u32 $0x4000, s31;
	s1 =	sadd.s32 s1, s30  }
0xcf: {  	s0 =	sor.u32 s4, s0;
	s1 =	sshll.u32 s1, $0x11  }
0xd0: {  	s0 =	sor.u32 s1, s0  }
0xd1: {  	s0 =	sadd.s32 $0x8F2B, s0  }
0xd2: {  	[sflag:s0] =	ssyncadd.remote.s32 $0x1  }
0xd3: {  	_ =	sfence.sel $0xFFFF  }
0xd4: {  	[dreg:$0x0] =	wrdreg $0xFFFFFFFF;
	(pc) =	sbr.abs _section_cstart, $3  }
0xd5: {  	[dreg:$0x1] =	wrdreg $0xFFFFFFFF  }
0xd6: {  	_ =	task.clear_ibuf [dreg:s22], $0x2FFFF;
	_ =	strace $0x9FFFFFFF  }
0xd7: {  	(tm) =	ssettm $0x7FFFFFFF  }
tec
execute0_lowered:
.L_overlay_start_1:
0x0: {  	(tag) =	ssettag $0x1  }
0x1: {  	s0 =	rddreg [dreg:$0x0]  }
0x2: {  	s1 =	rddreg [dreg:$0x1]  }
0x3: {  	s2 =	simm.s32 $0x0;
	s3 =	srdreg.scid;
	s5 =	stileid.u32  }
0x4: {  	s14 =	simm.s32 $0xA000;
	s16 =	simm.s32 $0x200;
	s17 =	simm.s32 $0x400  }
0x5: {  	s19 =	simm.s32 $0x4000;
	s21 =	simm.s32 $0x1;
	s22 =	simm.s32 $0xE000  }
0x6: {  	s23 =	simm.s32 $0x10000;
	s24 =	simm.s32 $0x2;
	s25 =	simm.s32 $0xF000  }
0x7: {  	s26 =	simm.s32 $0x11000;
	[smem:$0x7FF] =	sst s2;
	s4 =	sadd.s32 $0x384C00, s0  }
0x8: {  	s3 =	sand.u32 $0x1, s3;
	s6 =	sadd.s32 $0x584C00, s0;
	s5 =	sshll.u32 s5, $0x8  }
0x9: {  	s11 =	sadd.s32 $0x384C40, s0;
	_ =	strace $0x8000004A;
	s7 =	sshll.u32 s3, $0x7  }
0xa: {  	[dreg:$0x3] =	wrdreg s6;
	s6 =	sadd.s32 $0x585400, s0;
	s5 =	sor.u32 s7, s5  }
0xb: {  	s3 =	ssub.s32 $0x2, s3;
	s7 =	sadd.s32 $0x605400, s0;
	s9 =	sshll.u32 s5, $0x9  }
0xc: {  	s8 =	sshrl.u32 s3, $0x1;
	s30 =	sshll.u32 s5, $0x7;
	s29 =	sadd.s32 s4, s9  }
0xd: {  	s3 =	ssub.s32 s3, s8;
	s8 =	sadd.s32 s1, s30;
	[dreg:$0x4] =	wrdreg s29  }
0xe: {  	s10 =	sshrl.u32 s5, $0x3;
	s31 =	smax.u32 s3, $0x1;
	[dreg:$0x5] =	wrdreg s8  }
0xf: {  	s12 =	sor.u32 $0x8, s5;
	s5 =	simm.s32 $0x0;
	[dreg:$0x6] =	wrdreg s31  }
.LBB2_1:
0x10: {  	[dreg:$0x7] =	wrdreg s5  }
0x11: {  	s0 =	rddreg [dreg:$0x3];
	s28 =	simm.s32 $0x5  }
0x12: {  	[tilespmem:s14], [sflag:$0x5] =	stream.linear.gather [hbm4b:s0+s2], $0x4000, $0x38;
	[tilespmem:$0x12000] =	vst v63  }
0x13: {  	_ =	swait.ge [sflag:s28], $0x4000  }
0x14: {  	[sflag:s28] =	ssyncset.done $0x0  }
0x15: {  	s29 =	rddreg [dreg:$0x4];
	[sflag:s28] =	ssyncadd.s32 $0xFFFFC000  }
0x16: {  	[tilespmem:s2], [sflag:$0x1] =	stream.strided.gather [hbm4b:s29+s16], $0x4000, s17, s16, $0x38;
	[tilespmem:$0x12000] =	vst v63  }
0x17: {  	s3 =	simm.s32 $0x8000;
	s31 =	simm.s32 $0x0;
	s30 =	rddreg [dreg:$0x5]  }
0x18: {  	[tilespmem:s3], [sflag:$0x1] =	stream.strided.gather [hbm4b:s30+s16], $0x1000, s17, s16, $0x38;
	[tilespmem:$0x12000] =	vst v63  }
.LBB2_2:
0x19: {  	s0 =	sor.u32 s10, s31  }
0x1a: {  	s3 =	sshll.u32 s0, $0xC  }
0x1b: {  	s3 =	sadd.s32 s3, s11  }
0x1c: {  	[tilespmem:s19], [sflag:$0x2] =	stream.strided.gather [hbm4b:s3+s16], $0x4000, s17, s16, $0x38;
	[tilespmem:$0x12000] =	vst v63  }
0x1d: {  	s3 =	sshll.u32 s0, $0xA  }
0x1e: {  	s0 =	sor.u32 $0x40, s3  }
0x1f: {  	s8 =	simm.s32 $0x9000;
	s5 =	sadd.s32 s1, s0  }
0x20: {  	[tilespmem:s8], [sflag:$0x2] =	stream.strided.gather [hbm4b:s5+s16], $0x1000, s17, s16, $0x38;
	[tilespmem:$0x12000] =	vst v63  }
0x21: {  	_ =	swait.ge [sflag:s21], $0x4000  }
0x22: {  	[sflag:s21] =	ssyncset.done $0x0  }
0x23: {  	[sflag:s21] =	ssyncadd.s32 $0xFFFFC000  }
0x24: {  	_ =	swait.ge [sflag:s21], $0x1000  }
0x25: {  	p0 =	seq.s32 s31, $0x0;
	[sflag:s21] =	ssyncset.done $0x0  }
0x26: {  	s5 =	simm.s32 @!p0 $0x3;
	[sflag:s21] =	ssyncadd.s32 $0xFFFFF000  }
0x27: {  	_ =	swait.ge @!p0 [sflag:s5], $0x1000  }
0x28: {  	[sflag:s5] =	ssyncset.done @!p0 $0x0  }
0x29: {  	[sflag:s5] =	ssyncadd.s32 @!p0 $0xFFFFF000  }
0x2a: {  	s18 =	sshll.u32 s31, $0x3;
	_ =	swait.ge @!p0 [sflag:s5], $0x1000  }
0x2b: {  	s30 =	simm.s32 $0x10040;
	s9 =	simm.s32 $0xE040;
	[sflag:s5] =	ssyncset.done @!p0 $0x0  }
0x2c: {  	s13 =	simm.s32 $0x8040;
	[sflag:s5] =	ssyncadd.s32 @!p0 $0xFFFFF000;
	s5 =	simm.s32 $0x0  }
.LBB2_3:
0x2d: {  	v0 =	vld [tilespmem:s13+$0xFFFFFFC0]  }
0x2e: {  	v1 =	vld [tilespmem:s13+$0x20];
	_ =	sdelay $0x1  }
0x2f: {  	v7 =	vld [tilespmem:s13+$0x10];
	_ =	sdelay $0x1  }
0x30: {  	v4 =	vld [tilespmem:s13+$0x0]  }
0x31: {  	v3 =	vshll.u32 v0, $0x2;
	v5 =	vand.u32 $0xFFFFC07F, v0;
	v6 =	vshll.u32 v1, $0x2  }
0x32: {  	v0 =	vshrl.u32 v0, $0x5;
	v8 =	vand.u32 $0xFFFFC07F, v1;
	v1 =	vshrl.u32 v1, $0x5  }
0x33: {  	v2 =	vld [tilespmem:s13+$0xFFFFFFF0];
	v9 =	vshrl.u32 v7, $0x5;
	v10 =	vand.u32 $0xFFFFC07F, v7;
	v3 =	vand.u32 $0x3E00, v3  }
0x34: {  	v0 =	vand.u32 $0x180, v0;
	v3 =	vor.u32 v3, v5;
	v5 =	vand.u32 $0x3E00, v6;
	v6 =	vld [tilespmem:s13+$0x30]  }
0x35: {  	v7 =	vshll.u32 v7, $0x2;
	v16 =	vshll.u32 v4, $0x2;
	v3 =	vor.u32 v0, v3  }
0x36: {  	v12 =	vld [tilespmem:s13+$0xFFFFFFE0];
	s15 =	sadd.s32 $0x200, s13;
	v7 =	vand.u32 $0x3E00, v7;
	v5 =	vor.u32 v5, v8;
	v0 =	vand.u32 $0x180, v1  }
0x37: {  	v20 =	vld [tilespmem:s15+$0x20];
	v9 =	vand.u32 $0x180, v9;
	v7 =	vor.u32 v7, v10;
	v5 =	vor.u32 v0, v5  }
0x38: {  	v1 =	vshrl.u32 v4, $0x5;
	v8 =	vld [tilespmem:s13+$0xFFFFFFD0];
	v7 =	vor.u32 v9, v7;
	v4 =	vand.u32 $0xFFFFC07F, v4  }
0x39: {  	v22 =	vld [tilespmem:s15+$0x10];
	v9 =	vand.u32 $0x3E00, v16;
	v0 =	vshrl.u32 v2, $0x5;
	v11 =	vshll.u32 v6, $0x2  }
0x3a: {  	v13 =	vshrl.u32 v6, $0x5;
	v6 =	vand.u32 $0xFFFFC07F, v6;
	v11 =	vand.u32 $0x3E00, v11;
	v14 =	vld.idx.msk [tilespmem:v3+s2+$0x0], $0xffff  }
0x3b: {  	v16 =	vld [tilespmem:s15+$0xFFFFFFC0];
	v10 =	vand.u32 $0x180, v1;
	v13 =	vand.u32 $0x180, v13;
	v6 =	vor.u32 v11, v6  }
0x3c: {  	v15 =	vld.idx.msk [tilespmem:v5+s2+$0x0], $0xffff;
	v13 =	vor.u32 v13, v6;
	v6 =	vand.u32 $0xFFFFC07F, v2;
	v2 =	vshll.u32 v2, $0x2  }
0x3d: {  	v1 =	vld [tilespmem:s15+$0xFFFFFFE0];
	v4 =	vor.u32 v9, v4;
	v19 =	vshll.u32 v8, $0x2;
	v2 =	vand.u32 $0x3E00, v2  }
0x3e: {  	v11 =	vand.u32 $0x180, v0;
	v0 =	vld [tilespmem:s15+$0xFFFFFFD0];
	v2 =	vor.u32 v2, v6;
	v6 =	vshrl.u32 v8, $0x5  }
0x3f: {  	[tilespmem:s9+$0xFFFFFFC0] =	vst v14;
	v14 =	vand.u32 $0x3E00, v19;
	v19 =	vand.u32 $0xFFFFC07F, v8;
	v8 =	vor.u32 v11, v2;
	v2 =	vld.idx.msk [tilespmem:v7+s2+$0x0], $0xffff  }
0x40: {  	v10 =	vor.u32 v10, v4;
	v21 =	vld.idx.msk [tilespmem:v3+s14+$0x0], $0xffff  }
0x41: {  	v17 =	vshll.u32 v12, $0x2;
	v18 =	vand.u32 $0xFFFFC07F, v12;
	v12 =	vshrl.u32 v12, $0x5;
	[tilespmem:s9+$0x20] =	vst v15;
	v9 =	vld.idx.msk [tilespmem:v13+s2+$0x0], $0xffff  }
0x42: {  	v6 =	vand.u32 $0x180, v6;
	v3 =	vand.u32 $0x3E00, v17;
	v11 =	vor.u32 v14, v19;
	v15 =	vld.idx.msk [tilespmem:v5+s14+$0x0], $0xffff  }
0x43: {  	v4 =	vor.u32 v3, v18;
	v5 =	vand.u32 $0x180, v12;
	v17 =	vor.u32 v6, v11;
	v3 =	vld [tilespmem:s15+$0xFFFFFFF0]  }
0x44: {  	v6 =	vld [tilespmem:s15+$0x0];
	v19 =	vor.u32 v5, v4;
	v4 =	vshll.u32 v16, $0x2  }
0x45: {  	v14 =	vshll.u32 v20, $0x2;
	v11 =	vld.idx.msk [tilespmem:v10+s2+$0x0], $0xffff;
	v12 =	vand.u32 $0xFFFFC07F, v16;
	v4 =	vand.u32 $0x3E00, v4  }
0x46: {  	v5 =	vld.idx.msk [tilespmem:v8+s2+$0x0], $0xffff;
	v4 =	vor.u32 v4, v12;
	v12 =	vand.u32 $0x3E00, v14;
	v14 =	vshrl.u32 v16, $0x5;
	[tilespmem:s9+$0x10] =	vst v2  }
0x47: {  	v2 =	vand.u32 $0x180, v14;
	v14 =	vld.idx.msk [tilespmem:v7+s14+$0x0], $0xffff  }
0x48: {  	v18 =	vld.idx.msk [tilespmem:v17+s2+$0x0], $0xffff  }
0x49: {  	v16 =	vshrl.u32 v20, $0x5;
	[tilespmem:s9+$0x30] =	vst v9;
	v9 =	vand.u32 $0xFFFFC07F, v20;
	v20 =	vld [tilespmem:s15+$0x30];
	v4 =	vor.u32 v2, v4  }
0x4a: {  	v26 =	vshrl.u32 v22, $0x5;
	[tilespmem:s30+$0xFFFFFFC0] =	vst v21;
	v23 =	vld.idx.msk [tilespmem:v19+s2+$0x0], $0xffff  }
0x4b: {  	v21 =	vshrl.u32 v3, $0x5;
	v2 =	vand.u32 $0x180, v16;
	[tilespmem:s9+$0x0] =	vst v11;
	v9 =	vor.u32 v12, v9;
	v24 =	vld.idx.msk [tilespmem:v13+s14+$0x0], $0xffff  }
0x4c: {  	v25 =	vshrl.u32 v6, $0x5;
	v16 =	vand.u32 $0xFFFFC07F, v6;
	v11 =	vld.idx.msk [tilespmem:v10+s14+$0x0], $0xffff;
	v2 =	vor.u32 v2, v9;
	[tilespmem:s9+$0xFFFFFFF0] =	vst v5  }
0x4d: {  	[tilespmem:s30+$0x20] =	vst v15;
	v12 =	vand.u32 $0xFFFFC07F, v22;
	v7 =	vand.u32 $0x180, v21;
	v5 =	vand.u32 $0x180, v25;
	v13 =	vld.idx.msk [tilespmem:v8+s14+$0x0], $0xffff  }
0x4e: {  	v8 =	vand.u32 $0xFFFFC07F, v3;
	[tilespmem:s9+$0xFFFFFFD0] =	vst v18;
	v10 =	vshll.u32 v20, $0x2;
	v18 =	vshrl.u32 v20, $0x5;
	v15 =	vld.idx.msk [tilespmem:v4+s2+$0x0], $0xffff  }
0x4f: {  	s20 =	simm.s32 $0x8;
	v20 =	vand.u32 $0xFFFFC07F, v20;
	v9 =	vld.idx.msk [tilespmem:v17+s14+$0x0], $0xffff;
	[tilespmem:s9+$0xFFFFFFE0] =	vst v23;
	v21 =	vand.u32 $0x3E00, v10;
	v18 =	vand.u32 $0x180, v18  }
0x50: {  	s28 =	sadd.s32 $0x200, s9;
	s29 =	smov.u32 s30;
	s8 =	smov.u32 s30;
	v17 =	vand.u32 $0x180, v26;
	[tilespmem:s30+$0x30] =	vst v24;
	v10 =	vld.idx.msk [tilespmem:v19+s14+$0x0], $0xffff;
	v19 =	vshll.u32 v22, $0x2;
	v20 =	vor.u32 v21, v20  }
.LBB2_4:
0x51: {  	s20 =	sadd.s32 $0x8, s20;
	v6 =	vshll.u32 v6, $0x2;
	v19 =	vand.u32 $0x3E00, v19;
	v21 =	vld.idx.msk [tilespmem:v2+s2+$0x0], $0xffff;
	v18 =	vor.u32 v18, v20;
	s15 =	sadd.s32 $0x200, s15;
	[tilespmem:s29+$0x10] =	vst v14;
	s8 =	sadd.s32 $0x200, s8  }
0x52: {  	v3 =	vshll.u32 v3, $0x2;
	v14 =	vld [tilespmem:s15+$0xFFFFFFD0];
	p1 =	slt.u32 s20, $0x38;
	v6 =	vand.u32 $0x3E00, v6;
	v12 =	vor.u32 v19, v12;
	[tilespmem:s29+$0xFFFFFFF0] =	vst v13  }
0x53: {  	v20 =	vand.u32 $0xFFFFC07F, v1;
	v19 =	vshll.u32 v1, $0x2;
	v13 =	vld [tilespmem:s15+$0xFFFFFFE0];
	v17 =	vor.u32 v17, v12;
	[tilespmem:s29+$0x0] =	vst v11  }
0x54: {  	v1 =	vshrl.u32 v1, $0x5;
	v12 =	vshll.u32 v0, $0x2;
	v6 =	vor.u32 v6, v16;
	v11 =	vld [tilespmem:s15+$0xFFFFFFC0];
	[tilespmem:s29+$0xFFFFFFD0] =	vst v9  }
0x55: {  	v16 =	vand.u32 $0xFFFFC07F, v0;
	v19 =	vand.u32 $0x3E00, v19;
	v12 =	vand.u32 $0x3E00, v12;
	v9 =	vld [tilespmem:s15+$0x20];
	[tilespmem:s29+$0xFFFFFFE0] =	vst v10;
	s29 =	smov.u32 s8  }
0x56: {  	v3 =	vand.u32 $0x3E00, v3;
	v10 =	vor.u32 v12, v16;
	v12 =	vor.u32 v19, v20;
	[tilespmem:s28+$0xFFFFFFC0] =	vst v15;
	v15 =	vld.idx.msk [tilespmem:v18+s2+$0x0], $0xffff  }
0x57: {  	v3 =	vor.u32 v3, v8;
	v16 =	vshrl.u32 v0, $0x5;
	v20 =	vand.u32 $0x180, v1;
	v4 =	vld.idx.msk [tilespmem:v4+s14+$0x0], $0xffff;
	[tilespmem:s28+$0x20] =	vst v21;
	v0 =	vmovc v14  }
0x58: {  	v7 =	vor.u32 v7, v3;
	v8 =	vand.u32 $0x180, v16;
	v19 =	vor.u32 v20, v12;
	v12 =	vld.idx.msk [tilespmem:v17+s2+$0x0], $0xffff;
	v1 =	vmovc v13  }
0x59: {  	v16 =	vor.u32 v5, v6;
	v10 =	vor.u32 v8, v10;
	v3 =	vshll.u32 v11, $0x2;
	v2 =	vld.idx.msk [tilespmem:v2+s14+$0x0], $0xffff  }
0x5a: {  	v6 =	vand.u32 $0xFFFFC07F, v11;
	v5 =	vand.u32 $0x3E00, v3;
	v3 =	vld [tilespmem:s15+$0xFFFFFFF0];
	v8 =	vshll.u32 v9, $0x2  }
0x5b: {  	v13 =	vand.u32 $0xFFFFC07F, v9;
	v5 =	vor.u32 v5, v6;
	v6 =	vld [tilespmem:s15+$0x0];
	v8 =	vand.u32 $0x3E00, v8  }
0x5c: {  	v11 =	vshrl.u32 v11, $0x5;
	v9 =	vshrl.u32 v9, $0x5;
	v20 =	vld [tilespmem:s15+$0x10];
	v8 =	vor.u32 v8, v13;
	[tilespmem:s28+$0x30] =	vst v15  }
0x5d: {  	[tilespmem:s8+$0xFFFFFFC0] =	vst v4;
	v13 =	vld.idx.msk [tilespmem:v7+s2+$0x0], $0xffff  }
0x5e: {  	v15 =	vld.idx.msk [tilespmem:v16+s2+$0x0], $0xffff;
	[tilespmem:s28+$0x10] =	vst v12  }
0x5f: {  	v21 =	vshrl.u32 v3, $0x5;
	v22 =	vld.idx.msk [tilespmem:v10+s2+$0x0], $0xffff;
	[tilespmem:s8+$0x20] =	vst v2  }
0x60: {  	v23 =	vshrl.u32 v6, $0x5;
	v24 =	vld.idx.msk [tilespmem:v19+s2+$0x0], $0xffff  }
0x61: {  	v25 =	vshrl.u32 v20, $0x5;
	v12 =	vand.u32 $0xFFFFC07F, v20;
	v26 =	vld [tilespmem:s15+$0x30]  }
0x62: {  	v2 =	vand.u32 $0x180, v11;
	v27 =	vld.idx.msk [tilespmem:v18+s14+$0x0], $0xffff  }
0x63: {  	v4 =	vor.u32 v2, v5;
	v2 =	vand.u32 $0x180, v9;
	[tilespmem:s28+$0xFFFFFFF0] =	vst v13;
	v14 =	vld.idx.msk [tilespmem:v17+s14+$0x0], $0xffff  }
.Ltmp0:
0x64: {  	v2 =	vor.u32 v2, v8;
	v13 =	vld.idx.msk [tilespmem:v7+s14+$0x0], $0xffff;
	[tilespmem:s28+$0x0] =	vst v15;
	(pc) =	sbr.rel @p1 .LBB2_4-.Ltmp0, $4  }
0x65: {  	v8 =	vand.u32 $0xFFFFC07F, v3;
	v5 =	vand.u32 $0x180, v23;
	v7 =	vand.u32 $0x180, v21;
	[tilespmem:s28+$0xFFFFFFD0] =	vst v22;
	v11 =	vld.idx.msk [tilespmem:v16+s14+$0x0], $0xffff  }
0x66: {  	v15 =	vshll.u32 v26, $0x2;
	v17 =	vshrl.u32 v26, $0x5;
	v21 =	vand.u32 $0xFFFFC07F, v26;
	v9 =	vld.idx.msk [tilespmem:v10+s14+$0x0], $0xffff;
	[tilespmem:s28+$0xFFFFFFE0] =	vst v24  }
0x67: {  	v16 =	vand.u32 $0xFFFFC07F, v6;
	v22 =	vand.u32 $0x3E00, v15;
	v18 =	vand.u32 $0x180, v17;
	v10 =	vld.idx.msk [tilespmem:v19+s14+$0x0], $0xffff  }
0x68: {  	s28 =	sadd.s32 $0x200, s28;
	v19 =	vshll.u32 v20, $0x2;
	v17 =	vand.u32 $0x180, v25;
	v15 =	vld.idx.msk [tilespmem:v4+s2+$0x0], $0xffff;
	v20 =	vor.u32 v22, v21;
	[tilespmem:s8+$0x30] =	vst v27  }
0x69: {  	_ = 	snop  }
0x6a: {  	v6 =	vshll.u32 v6, $0x2  }
0x6b: {  	v19 =	vand.u32 $0x3E00, v19;
	v18 =	vor.u32 v18, v20;
	v3 =	vshll.u32 v3, $0x2  }
0x6c: {  	v44 =	vshll.u32 v1, $0x2;
	v45 =	vand.u32 $0xFFFFC07F, v1;
	v46 =	vshll.u32 v0, $0x2  }
0x6d: {  	v21 =	vld.idx.msk [tilespmem:v2+s2+$0x0], $0xffff;
	v47 =	vshrl.u32 v1, $0x5;
	v49 =	vand.u32 $0xFFFFC07F, v0;
	v51 =	vshrl.u32 v0, $0x5  }
0x6e: {  	v6 =	vand.u32 $0x3E00, v6;
	v12 =	vor.u32 v19, v12;
	v3 =	vand.u32 $0x3E00, v3  }
0x6f: {  	[tilespmem:s29+$0x10] =	vst v14;
	v48 =	vand.u32 $0x3E00, v46;
	v12 =	vor.u32 v17, v12;
	v3 =	vor.u32 v3, v8  }
0x70: {  	[tilespmem:s29+$0xFFFFFFF0] =	vst v13;
	v50 =	vand.u32 $0x3E00, v44;
	v6 =	vor.u32 v6, v16;
	v3 =	vor.u32 v7, v3  }
0x71: {  	v0 =	vand.u32 $0x180, v51;
	v52 =	vor.u32 v48, v49;
	v5 =	vor.u32 v5, v6;
	[tilespmem:s28+$0xFFFFFFC0] =	vst v15;
	v53 =	vld.idx.msk [tilespmem:v18+s2+$0x0], $0xffff  }
0x72: {  	v1 =	vand.u32 $0x180, v47;
	v54 =	vor.u32 v50, v45;
	v0 =	vor.u32 v0, v52;
	v4 =	vld.idx.msk [tilespmem:v4+s14+$0x0], $0xffff;
	[tilespmem:s28+$0x20] =	vst v21  }
0x73: {  	[tilespmem:s29+$0x0] =	vst v11;
	v1 =	vor.u32 v1, v54;
	v56 =	vld.idx.msk [tilespmem:v2+s14+$0x0], $0xffff  }
0x74: {  	[tilespmem:s29+$0xFFFFFFD0] =	vst v9;
	v55 =	vld.idx.msk [tilespmem:v12+s2+$0x0], $0xffff  }
0x75: {  	[tilespmem:s29+$0xFFFFFFE0] =	vst v10;
	v57 =	vld.idx.msk [tilespmem:v3+s2+$0x0], $0xffff  }
0x76: {  	s8 =	sadd.s32 $0x200, s8;
	v58 =	vld.idx.msk [tilespmem:v5+s2+$0x0], $0xffff;
	[tilespmem:s28+$0x30] =	vst v53  }
0x77: {  	v59 =	vld.idx.msk [tilespmem:v0+s2+$0x0], $0xffff;
	[tilespmem:s8+$0xFFFFFFC0] =	vst v4  }
0x78: {  	v60 =	vld.idx.msk [tilespmem:v1+s2+$0x0], $0xffff;
	[tilespmem:s8+$0x20] =	vst v56  }
0x79: {  	v61 =	vld.idx.msk [tilespmem:v18+s14+$0x0], $0xffff;
	[tilespmem:s28+$0x10] =	vst v55  }
0x7a: {  	[tilespmem:s28+$0xFFFFFFF0] =	vst v57;
	v62 =	vld.idx.msk [tilespmem:v12+s14+$0x0], $0xffff  }
0x7b: {  	[tilespmem:s28+$0x0] =	vst v58;
	v3 =	vld.idx.msk [tilespmem:v3+s14+$0x0], $0xffff  }
0x7c: {  	[tilespmem:s28+$0xFFFFFFD0] =	vst v59;
	v63 =	vld.idx.msk [tilespmem:v5+s14+$0x0], $0xffff  }
0x7d: {  	s5 =	sadd.s32 $0x1, s5;
	[tilespmem:s28+$0xFFFFFFE0] =	vst v60;
	v0 =	vld.idx.msk [tilespmem:v0+s14+$0x0], $0xffff  }
0x7e: {  	p1 =	sne.s32 s5, $0x4;
	v1 =	vld.idx.msk [tilespmem:v1+s14+$0x0], $0xffff;
	[tilespmem:s8+$0x30] =	vst v61  }
.Ltmp1:
0x7f: {  	[tilespmem:s8+$0x10] =	vst v62;
	(pc) =	sbr.rel @p1 .LBB2_3-.Ltmp1, $4  }
0x80: {  	[tilespmem:s8+$0xFFFFFFF0] =	vst v3  }
0x81: {  	[tilespmem:s8+$0x0] =	vst v63  }
0x82: {  	[tilespmem:s8+$0xFFFFFFD0] =	vst v0  }
0x83: {  	s30 =	sadd.s32 $0x80, s30;
	s9 =	sadd.s32 $0x80, s9;
	s13 =	sadd.s32 $0x80, s13;
	[tilespmem:s8+$0xFFFFFFE0] =	vst v1  }
0x84: {  	s5 =	sadd.s32 s6, s3;
	p1 =	seq.s32 s31, $0xF  }
0x85: {  	[hbm4b:s5+s16] =	stream.strided.scatter [tilespmem:s22], [sflag:$0x3], $0x1000, s17, s16, $0x38;
	[tilespmem:$0x12000] =	vst v63  }
0x86: {  	s30 =	sadd.s32 s7, s3;
	s3 =	sadd.s32 @!p1 s18, s12  }
0x87: {  	s8 =	simm.s32 @!p1 $0x200;
	s9 =	simm.s32 @!p1 $0x400;
	s5 =	sshll.u32 @!p1 s3, $0x9  }
0x88: {  	[hbm4b:s30+s16] =	stream.strided.scatter [tilespmem:s23], [sflag:$0x3], $0x1000, s17, s16, $0x38;
	[tilespmem:$0x12000] =	vst v63  }
0x89: {  	s13 =	simm.s32 @!p1 $0x0;
	s3 =	sshll.u32 @!p1 s3, $0x7;
	s5 =	sadd.s32 @!p1 s4, s5  }
0x8a: {  	[tilespmem:s13], [sflag:$0x1] =	stream.strided.gather @!p1 [hbm4b:s5+s8], $0x4000, s9, s8, $0x38;
	[tilespmem:$0x12000] =	vst v63  }
0x8b: {  	s3 =	sadd.s32 @!p1 s1, s3;
	s5 =	simm.s32 @!p1 $0x8000  }
0x8c: {  	[tilespmem:s5], [sflag:$0x1] =	stream.strided.gather @!p1 [hbm4b:s3+s8], $0x1000, s9, s8, $0x38;
	[tilespmem:$0x12000] =	vst v63  }
0x8d: {  	_ =	swait.ge [sflag:s24], $0x4000  }
0x8e: {  	[sflag:s24] =	ssyncset.done $0x0  }
0x8f: {  	[sflag:s24] =	ssyncadd.s32 $0xFFFFC000  }
0x90: {  	_ =	swait.ge [sflag:s24], $0x1000  }
0x91: {  	[sflag:s24] =	ssyncset.done $0x0  }
0x92: {  	s3 =	simm.s32 @!p0 $0x4;
	[sflag:s24] =	ssyncadd.s32 $0xFFFFF000  }
0x93: {  	_ =	swait.ge @!p0 [sflag:s3], $0x1000  }
0x94: {  	[sflag:s3] =	ssyncset.done @!p0 $0x0  }
0x95: {  	[sflag:s3] =	ssyncadd.s32 @!p0 $0xFFFFF000  }
0x96: {  	_ =	swait.ge @!p0 [sflag:s3], $0x1000  }
0x97: {  	s5 =	simm.s32 $0x11040;
	s8 =	simm.s32 $0xF040;
	[sflag:s3] =	ssyncset.done @!p0 $0x0  }
0x98: {  	s9 =	simm.s32 $0x9040;
	[sflag:s3] =	ssyncadd.s32 @!p0 $0xFFFFF000;
	s3 =	simm.s32 $0x0  }
.LBB2_7:
0x99: {  	v0 =	vld [tilespmem:s9+$0xFFFFFFC0]  }
0x9a: {  	v1 =	vld [tilespmem:s9+$0x20];
	_ =	sdelay $0x1  }
0x9b: {  	v7 =	vld [tilespmem:s9+$0x10];
	_ =	sdelay $0x1  }
0x9c: {  	v4 =	vld [tilespmem:s9+$0x0]  }
0x9d: {  	v3 =	vshll.u32 v0, $0x2;
	v5 =	vand.u32 $0xFFFFC07F, v0;
	v6 =	vshll.u32 v1, $0x2  }
0x9e: {  	v0 =	vshrl.u32 v0, $0x5;
	v8 =	vand.u32 $0xFFFFC07F, v1;
	v1 =	vshrl.u32 v1, $0x5  }
0x9f: {  	v2 =	vld [tilespmem:s9+$0xFFFFFFF0];
	v9 =	vshrl.u32 v7, $0x5;
	v10 =	vand.u32 $0xFFFFC07F, v7;
	v3 =	vand.u32 $0x3E00, v3  }
0xa0: {  	v0 =	vand.u32 $0x180, v0;
	v3 =	vor.u32 v3, v5;
	v5 =	vand.u32 $0x3E00, v6;
	v6 =	vld [tilespmem:s9+$0x30]  }
0xa1: {  	v7 =	vshll.u32 v7, $0x2;
	v16 =	vshll.u32 v4, $0x2;
	v3 =	vor.u32 v0, v3  }
0xa2: {  	v12 =	vld [tilespmem:s9+$0xFFFFFFE0];
	s13 =	sadd.s32 $0x200, s9;
	v7 =	vand.u32 $0x3E00, v7;
	v5 =	vor.u32 v5, v8;
	v0 =	vand.u32 $0x180, v1  }
0xa3: {  	v20 =	vld [tilespmem:s13+$0x20];
	v9 =	vand.u32 $0x180, v9;
	v7 =	vor.u32 v7, v10;
	v5 =	vor.u32 v0, v5  }
0xa4: {  	v1 =	vshrl.u32 v4, $0x5;
	v8 =	vld [tilespmem:s9+$0xFFFFFFD0];
	v7 =	vor.u32 v9, v7;
	v4 =	vand.u32 $0xFFFFC07F, v4  }
0xa5: {  	v22 =	vld [tilespmem:s13+$0x10];
	v9 =	vand.u32 $0x3E00, v16;
	v0 =	vshrl.u32 v2, $0x5;
	v11 =	vshll.u32 v6, $0x2  }
0xa6: {  	v13 =	vshrl.u32 v6, $0x5;
	v6 =	vand.u32 $0xFFFFC07F, v6;
	v11 =	vand.u32 $0x3E00, v11;
	v14 =	vld.idx.msk [tilespmem:v3+s19+$0x0], $0xffff  }
0xa7: {  	v16 =	vld [tilespmem:s13+$0xFFFFFFC0];
	v10 =	vand.u32 $0x180, v1;
	v13 =	vand.u32 $0x180, v13;
	v6 =	vor.u32 v11, v6  }
0xa8: {  	v15 =	vld.idx.msk [tilespmem:v5+s19+$0x0], $0xffff;
	v13 =	vor.u32 v13, v6;
	v6 =	vand.u32 $0xFFFFC07F, v2;
	v2 =	vshll.u32 v2, $0x2  }
0xa9: {  	v1 =	vld [tilespmem:s13+$0xFFFFFFE0];
	v4 =	vor.u32 v9, v4;
	v19 =	vshll.u32 v8, $0x2;
	v2 =	vand.u32 $0x3E00, v2  }
0xaa: {  	v11 =	vand.u32 $0x180, v0;
	v0 =	vld [tilespmem:s13+$0xFFFFFFD0];
	v2 =	vor.u32 v2, v6;
	v6 =	vshrl.u32 v8, $0x5  }
0xab: {  	[tilespmem:s8+$0xFFFFFFC0] =	vst v14;
	v14 =	vand.u32 $0x3E00, v19;
	v19 =	vand.u32 $0xFFFFC07F, v8;
	v8 =	vor.u32 v11, v2;
	v2 =	vld.idx.msk [tilespmem:v7+s19+$0x0], $0xffff  }
0xac: {  	v10 =	vor.u32 v10, v4;
	v21 =	vld.idx.msk [tilespmem:v3+s14+$0x0], $0xffff  }
0xad: {  	v17 =	vshll.u32 v12, $0x2;
	v18 =	vand.u32 $0xFFFFC07F, v12;
	v12 =	vshrl.u32 v12, $0x5;
	[tilespmem:s8+$0x20] =	vst v15;
	v9 =	vld.idx.msk [tilespmem:v13+s19+$0x0], $0xffff  }
0xae: {  	v6 =	vand.u32 $0x180, v6;
	v3 =	vand.u32 $0x3E00, v17;
	v11 =	vor.u32 v14, v19;
	v15 =	vld.idx.msk [tilespmem:v5+s14+$0x0], $0xffff  }
0xaf: {  	v4 =	vor.u32 v3, v18;
	v5 =	vand.u32 $0x180, v12;
	v17 =	vor.u32 v6, v11;
	v3 =	vld [tilespmem:s13+$0xFFFFFFF0]  }
0xb0: {  	v6 =	vld [tilespmem:s13+$0x0];
	v19 =	vor.u32 v5, v4;
	v4 =	vshll.u32 v16, $0x2  }
0xb1: {  	v14 =	vshll.u32 v20, $0x2;
	v11 =	vld.idx.msk [tilespmem:v10+s19+$0x0], $0xffff;
	v12 =	vand.u32 $0xFFFFC07F, v16;
	v4 =	vand.u32 $0x3E00, v4  }
0xb2: {  	v5 =	vld.idx.msk [tilespmem:v8+s19+$0x0], $0xffff;
	v4 =	vor.u32 v4, v12;
	v12 =	vand.u32 $0x3E00, v14;
	v14 =	vshrl.u32 v16, $0x5;
	[tilespmem:s8+$0x10] =	vst v2  }
0xb3: {  	v2 =	vand.u32 $0x180, v14;
	v14 =	vld.idx.msk [tilespmem:v7+s14+$0x0], $0xffff  }
0xb4: {  	v18 =	vld.idx.msk [tilespmem:v17+s19+$0x0], $0xffff  }
0xb5: {  	v16 =	vshrl.u32 v20, $0x5;
	[tilespmem:s8+$0x30] =	vst v9;
	v9 =	vand.u32 $0xFFFFC07F, v20;
	v20 =	vld [tilespmem:s13+$0x30];
	v4 =	vor.u32 v2, v4  }
0xb6: {  	v26 =	vshrl.u32 v22, $0x5;
	[tilespmem:s5+$0xFFFFFFC0] =	vst v21;
	v23 =	vld.idx.msk [tilespmem:v19+s19+$0x0], $0xffff  }
0xb7: {  	v21 =	vshrl.u32 v3, $0x5;
	v2 =	vand.u32 $0x180, v16;
	[tilespmem:s8+$0x0] =	vst v11;
	v9 =	vor.u32 v12, v9;
	v24 =	vld.idx.msk [tilespmem:v13+s14+$0x0], $0xffff  }
0xb8: {  	v25 =	vshrl.u32 v6, $0x5;
	v16 =	vand.u32 $0xFFFFC07F, v6;
	v11 =	vld.idx.msk [tilespmem:v10+s14+$0x0], $0xffff;
	v2 =	vor.u32 v2, v9;
	[tilespmem:s8+$0xFFFFFFF0] =	vst v5  }
0xb9: {  	[tilespmem:s5+$0x20] =	vst v15;
	v12 =	vand.u32 $0xFFFFC07F, v22;
	v7 =	vand.u32 $0x180, v21;
	v5 =	vand.u32 $0x180, v25;
	v13 =	vld.idx.msk [tilespmem:v8+s14+$0x0], $0xffff  }
0xba: {  	v8 =	vand.u32 $0xFFFFC07F, v3;
	[tilespmem:s8+$0xFFFFFFD0] =	vst v18;
	v10 =	vshll.u32 v20, $0x2;
	v18 =	vshrl.u32 v20, $0x5;
	v15 =	vld.idx.msk [tilespmem:v4+s19+$0x0], $0xffff  }
0xbb: {  	s20 =	simm.s32 $0x8;
	v20 =	vand.u32 $0xFFFFC07F, v20;
	v9 =	vld.idx.msk [tilespmem:v17+s14+$0x0], $0xffff;
	[tilespmem:s8+$0xFFFFFFE0] =	vst v23;
	v21 =	vand.u32 $0x3E00, v10;
	v18 =	vand.u32 $0x180, v18  }
0xbc: {  	s15 =	sadd.s32 $0x200, s8;
	s28 =	smov.u32 s5;
	s18 =	smov.u32 s5;
	v17 =	vand.u32 $0x180, v26;
	[tilespmem:s5+$0x30] =	vst v24;
	v10 =	vld.idx.msk [tilespmem:v19+s14+$0x0], $0xffff;
	v19 =	vshll.u32 v22, $0x2;
	v20 =	vor.u32 v21, v20  }
.LBB2_8:
0xbd: {  	s20 =	sadd.s32 $0x8, s20;
	v6 =	vshll.u32 v6, $0x2;
	v19 =	vand.u32 $0x3E00, v19;
	v21 =	vld.idx.msk [tilespmem:v2+s19+$0x0], $0xffff;
	v18 =	vor.u32 v18, v20;
	s13 =	sadd.s32 $0x200, s13;
	[tilespmem:s28+$0x10] =	vst v14;
	s18 =	sadd.s32 $0x200, s18  }
0xbe: {  	v3 =	vshll.u32 v3, $0x2;
	v14 =	vld [tilespmem:s13+$0xFFFFFFD0];
	p0 =	slt.u32 s20, $0x38;
	v6 =	vand.u32 $0x3E00, v6;
	v12 =	vor.u32 v19, v12;
	[tilespmem:s28+$0xFFFFFFF0] =	vst v13  }
0xbf: {  	v20 =	vand.u32 $0xFFFFC07F, v1;
	v19 =	vshll.u32 v1, $0x2;
	v13 =	vld [tilespmem:s13+$0xFFFFFFE0];
	v17 =	vor.u32 v17, v12;
	[tilespmem:s28+$0x0] =	vst v11  }
0xc0: {  	v1 =	vshrl.u32 v1, $0x5;
	v12 =	vshll.u32 v0, $0x2;
	v6 =	vor.u32 v6, v16;
	v11 =	vld [tilespmem:s13+$0xFFFFFFC0];
	[tilespmem:s28+$0xFFFFFFD0] =	vst v9  }
0xc1: {  	v16 =	vand.u32 $0xFFFFC07F, v0;
	v19 =	vand.u32 $0x3E00, v19;
	v12 =	vand.u32 $0x3E00, v12;
	v9 =	vld [tilespmem:s13+$0x20];
	[tilespmem:s28+$0xFFFFFFE0] =	vst v10;
	s28 =	smov.u32 s18  }
0xc2: {  	v3 =	vand.u32 $0x3E00, v3;
	v10 =	vor.u32 v12, v16;
	v12 =	vor.u32 v19, v20;
	[tilespmem:s15+$0xFFFFFFC0] =	vst v15;
	v15 =	vld.idx.msk [tilespmem:v18+s19+$0x0], $0xffff  }
0xc3: {  	v3 =	vor.u32 v3, v8;
	v16 =	vshrl.u32 v0, $0x5;
	v20 =	vand.u32 $0x180, v1;
	v4 =	vld.idx.msk [tilespmem:v4+s14+$0x0], $0xffff;
	[tilespmem:s15+$0x20] =	vst v21;
	v0 =	vmovc v14  }
0xc4: {  	v7 =	vor.u32 v7, v3;
	v8 =	vand.u32 $0x180, v16;
	v19 =	vor.u32 v20, v12;
	v12 =	vld.idx.msk [tilespmem:v17+s19+$0x0], $0xffff;
	v1 =	vmovc v13  }
0xc5: {  	v16 =	vor.u32 v5, v6;
	v10 =	vor.u32 v8, v10;
	v3 =	vshll.u32 v11, $0x2;
	v2 =	vld.idx.msk [tilespmem:v2+s14+$0x0], $0xffff  }
0xc6: {  	v6 =	vand.u32 $0xFFFFC07F, v11;
	v5 =	vand.u32 $0x3E00, v3;
	v3 =	vld [tilespmem:s13+$0xFFFFFFF0];
	v8 =	vshll.u32 v9, $0x2  }
0xc7: {  	v13 =	vand.u32 $0xFFFFC07F, v9;
	v5 =	vor.u32 v5, v6;
	v6 =	vld [tilespmem:s13+$0x0];
	v8 =	vand.u32 $0x3E00, v8  }
0xc8: {  	v11 =	vshrl.u32 v11, $0x5;
	v9 =	vshrl.u32 v9, $0x5;
	v20 =	vld [tilespmem:s13+$0x10];
	v8 =	vor.u32 v8, v13;
	[tilespmem:s15+$0x30] =	vst v15  }
0xc9: {  	[tilespmem:s18+$0xFFFFFFC0] =	vst v4;
	v13 =	vld.idx.msk [tilespmem:v7+s19+$0x0], $0xffff  }
0xca: {  	v15 =	vld.idx.msk [tilespmem:v16+s19+$0x0], $0xffff;
	[tilespmem:s15+$0x10] =	vst v12  }
0xcb: {  	v21 =	vshrl.u32 v3, $0x5;
	v22 =	vld.idx.msk [tilespmem:v10+s19+$0x0], $0xffff;
	[tilespmem:s18+$0x20] =	vst v2  }
0xcc: {  	v23 =	vshrl.u32 v6, $0x5;
	v24 =	vld.idx.msk [tilespmem:v19+s19+$0x0], $0xffff  }
0xcd: {  	v25 =	vshrl.u32 v20, $0x5;
	v12 =	vand.u32 $0xFFFFC07F, v20;
	v26 =	vld [tilespmem:s13+$0x30]  }
0xce: {  	v2 =	vand.u32 $0x180, v11;
	v27 =	vld.idx.msk [tilespmem:v18+s14+$0x0], $0xffff  }
0xcf: {  	v4 =	vor.u32 v2, v5;
	v2 =	vand.u32 $0x180, v9;
	[tilespmem:s15+$0xFFFFFFF0] =	vst v13;
	v14 =	vld.idx.msk [tilespmem:v17+s14+$0x0], $0xffff  }
.Ltmp2:
0xd0: {  	v2 =	vor.u32 v2, v8;
	v13 =	vld.idx.msk [tilespmem:v7+s14+$0x0], $0xffff;
	[tilespmem:s15+$0x0] =	vst v15;
	(pc) =	sbr.rel @p0 .LBB2_8-.Ltmp2, $4  }
0xd1: {  	v8 =	vand.u32 $0xFFFFC07F, v3;
	v5 =	vand.u32 $0x180, v23;
	v7 =	vand.u32 $0x180, v21;
	[tilespmem:s15+$0xFFFFFFD0] =	vst v22;
	v11 =	vld.idx.msk [tilespmem:v16+s14+$0x0], $0xffff  }
0xd2: {  	v15 =	vshll.u32 v26, $0x2;
	v17 =	vshrl.u32 v26, $0x5;
	v21 =	vand.u32 $0xFFFFC07F, v26;
	v9 =	vld.idx.msk [tilespmem:v10+s14+$0x0], $0xffff;
	[tilespmem:s15+$0xFFFFFFE0] =	vst v24  }
0xd3: {  	v16 =	vand.u32 $0xFFFFC07F, v6;
	v22 =	vand.u32 $0x3E00, v15;
	v18 =	vand.u32 $0x180, v17;
	v10 =	vld.idx.msk [tilespmem:v19+s14+$0x0], $0xffff  }
0xd4: {  	s15 =	sadd.s32 $0x200, s15;
	v19 =	vshll.u32 v20, $0x2;
	v17 =	vand.u32 $0x180, v25;
	v15 =	vld.idx.msk [tilespmem:v4+s19+$0x0], $0xffff;
	v20 =	vor.u32 v22, v21;
	[tilespmem:s18+$0x30] =	vst v27  }
0xd5: {  	_ = 	snop  }
0xd6: {  	v6 =	vshll.u32 v6, $0x2  }
0xd7: {  	v19 =	vand.u32 $0x3E00, v19;
	v18 =	vor.u32 v18, v20;
	v3 =	vshll.u32 v3, $0x2  }
0xd8: {  	v44 =	vshll.u32 v1, $0x2;
	v45 =	vand.u32 $0xFFFFC07F, v1;
	v46 =	vshll.u32 v0, $0x2  }
0xd9: {  	v21 =	vld.idx.msk [tilespmem:v2+s19+$0x0], $0xffff;
	v47 =	vshrl.u32 v1, $0x5;
	v49 =	vand.u32 $0xFFFFC07F, v0;
	v51 =	vshrl.u32 v0, $0x5  }
0xda: {  	v6 =	vand.u32 $0x3E00, v6;
	v12 =	vor.u32 v19, v12;
	v3 =	vand.u32 $0x3E00, v3  }
0xdb: {  	[tilespmem:s28+$0x10] =	vst v14;
	v48 =	vand.u32 $0x3E00, v46;
	v12 =	vor.u32 v17, v12;
	v3 =	vor.u32 v3, v8  }
0xdc: {  	[tilespmem:s28+$0xFFFFFFF0] =	vst v13;
	v50 =	vand.u32 $0x3E00, v44;
	v6 =	vor.u32 v6, v16;
	v3 =	vor.u32 v7, v3  }
0xdd: {  	v0 =	vand.u32 $0x180, v51;
	v52 =	vor.u32 v48, v49;
	v5 =	vor.u32 v5, v6;
	[tilespmem:s15+$0xFFFFFFC0] =	vst v15;
	v53 =	vld.idx.msk [tilespmem:v18+s19+$0x0], $0xffff  }
0xde: {  	v1 =	vand.u32 $0x180, v47;
	v54 =	vor.u32 v50, v45;
	v0 =	vor.u32 v0, v52;
	v4 =	vld.idx.msk [tilespmem:v4+s14+$0x0], $0xffff;
	[tilespmem:s15+$0x20] =	vst v21  }
0xdf: {  	[tilespmem:s28+$0x0] =	vst v11;
	v1 =	vor.u32 v1, v54;
	v56 =	vld.idx.msk [tilespmem:v2+s14+$0x0], $0xffff  }
0xe0: {  	[tilespmem:s28+$0xFFFFFFD0] =	vst v9;
	v55 =	vld.idx.msk [tilespmem:v12+s19+$0x0], $0xffff  }
0xe1: {  	[tilespmem:s28+$0xFFFFFFE0] =	vst v10;
	v57 =	vld.idx.msk [tilespmem:v3+s19+$0x0], $0xffff  }
0xe2: {  	s13 =	sadd.s32 $0x200, s18;
	v58 =	vld.idx.msk [tilespmem:v5+s19+$0x0], $0xffff;
	[tilespmem:s15+$0x30] =	vst v53  }
0xe3: {  	v59 =	vld.idx.msk [tilespmem:v0+s19+$0x0], $0xffff;
	[tilespmem:s13+$0xFFFFFFC0] =	vst v4  }
0xe4: {  	v60 =	vld.idx.msk [tilespmem:v1+s19+$0x0], $0xffff;
	[tilespmem:s13+$0x20] =	vst v56  }
0xe5: {  	v61 =	vld.idx.msk [tilespmem:v18+s14+$0x0], $0xffff;
	[tilespmem:s15+$0x10] =	vst v55  }
0xe6: {  	[tilespmem:s15+$0xFFFFFFF0] =	vst v57;
	v62 =	vld.idx.msk [tilespmem:v12+s14+$0x0], $0xffff  }
0xe7: {  	[tilespmem:s15+$0x0] =	vst v58;
	v3 =	vld.idx.msk [tilespmem:v3+s14+$0x0], $0xffff  }
0xe8: {  	[tilespmem:s15+$0xFFFFFFD0] =	vst v59;
	v63 =	vld.idx.msk [tilespmem:v5+s14+$0x0], $0xffff  }
0xe9: {  	s3 =	sadd.s32 $0x1, s3;
	[tilespmem:s15+$0xFFFFFFE0] =	vst v60;
	v0 =	vld.idx.msk [tilespmem:v0+s14+$0x0], $0xffff  }
0xea: {  	p0 =	sne.s32 s3, $0x4;
	v1 =	vld.idx.msk [tilespmem:v1+s14+$0x0], $0xffff;
	[tilespmem:s13+$0x30] =	vst v61  }
.Ltmp3:
0xeb: {  	[tilespmem:s13+$0x10] =	vst v62;
	(pc) =	sbr.rel @p0 .LBB2_7-.Ltmp3, $4  }
0xec: {  	[tilespmem:s13+$0xFFFFFFF0] =	vst v3  }
0xed: {  	[tilespmem:s13+$0x0] =	vst v63  }
0xee: {  	[tilespmem:s13+$0xFFFFFFD0] =	vst v0  }
0xef: {  	s5 =	sadd.s32 $0x80, s5;
	s8 =	sadd.s32 $0x80, s8;
	s9 =	sadd.s32 $0x80, s9;
	[tilespmem:s13+$0xFFFFFFE0] =	vst v1  }
0xf0: {  	s31 =	sadd.s32 $0x1, s31  }
0xf1: {  	p0 =	sne.s32 s31, $0x10  }
.Ltmp4:
0xf2: {  	_ = 	snop;
	(pc) =	sbr.rel @p0 .LBB2_2-.Ltmp4, $4  }
0xf3: {  	s3 =	sadd.s32 s6, s0  }
0xf4: {  	[hbm4b:s3+s16] =	stream.strided.scatter [tilespmem:s25], [sflag:$0x4], $0x1000, s17, s16, $0x38;
	[tilespmem:$0x12000] =	vst v63  }
0xf5: {  	s30 =	sadd.s32 s7, s0  }
0xf6: {  	[hbm4b:s30+s16] =	stream.strided.scatter [tilespmem:s26], [sflag:$0x4], $0x1000, s17, s16, $0x38;
	[tilespmem:$0x12000] =	vst v63  }
0xf7: {  	s0 =	simm.s32 $0x3  }
0xf8: {  	_ =	swait.ge [sflag:s0], $0x1000  }
0xf9: {  	[sflag:s0] =	ssyncset.done $0x0  }
0xfa: {  	[sflag:s0] =	ssyncadd.s32 $0xFFFFF000  }
0xfb: {  	_ =	swait.ge [sflag:s0], $0x1000  }
0xfc: {  	[sflag:s0] =	ssyncset.done $0x0  }
0xfd: {  	s3 =	simm.s32 $0x4;
	[sflag:s0] =	ssyncadd.s32 $0xFFFFF000  }
0xfe: {  	_ =	swait.ge [sflag:s3], $0x1000  }
0xff: {  	[sflag:s3] =	ssyncset.done $0x0  }
0x100: {  	[sflag:s3] =	ssyncadd.s32 $0xFFFFF000  }
0x101: {  	_ =	swait.ge [sflag:s3], $0x1000  }
0x102: {  	s5 =	rddreg [dreg:$0x7]  }
0x103: {  	s31 =	rddreg [dreg:$0x6];
	s5 =	sadd.s32 $0x1, s5  }
0x104: {  	p0 =	sne.s32 s5, s31  }
.Ltmp5:
0x105: {  	_ = 	snop;
	(pc) =	sbr.rel @p0 .LBB2_1-.Ltmp5, $3  }
0x106: {  	_ =	sdelay $0x1  }
0x107: {  	[sflag:s3] =	ssyncset.done $0x0  }
0x108: {  	[sflag:s3] =	ssyncadd.s32 $0xFFFFF000  }
0x109: {  	_ =	sfence.sel $0x180000  }
0x10a: {  	[bflag:$0x0] =	sbarrier.arrive $0xFFFF  }
0x10b: {  	_ =	strace $0x9000004A  }
0x10c: {  	s0 =	stileid.u32;
	[bflag:$0x2] =	sbarrier.arrive $0xFFFF  }
0x10d: {  	p0 =	sne.s32 s0, $0x0;
	s0 =	rddreg [dreg:$0x2]  }
0x10e: {  	s0 =	sadd.s32 @!p0 $0x100000, s0  }
0x10f: {  	[sflag:s0] =	ssyncadd.tile.s32 @!p0 $0x1;
	_ =	shalt  }
.Lfunc_end2:
_tile_overlayer_lowered:
.L_overlay_start_2:
0x110: {  	(tag) =	ssettag $0x2  }
0x111: {  	s0 =	rddreg [dreg:$0x0];
	s2 =	stileid.u32  }
0x112: {  	s1 =	rddreg [dreg:$0x1];
	p0 =	sne.s32 s2, $0x0  }
0x113: {  	s3 =	rddreg [dreg:$0x2];
	[bflag:$0x3] =	sbarrier.arrive $0xFFFF;
	s2 =	simm.s32 @!p0 $0x1C05  }
0x114: {  	[timem:s3], [sflag:s2] =	dma.local @!p0 [hbm:s0], s1  }
0x115: {  	s0 =	simm.s32 @!p0 $0x5  }
0x116: {  	_ =	swait.ge @!p0 [sflag:s0], s1  }
0x117: {  	s1 =	ssub.s32 @!p0 $0x0, s1;
	[sflag:s0] =	ssyncset.done @!p0 $0x0  }
0x118: {  	[sflag:s0] =	ssyncadd.s32 @!p0 s1  }
0x119: {  	[bflag:$0x3] =	sbarrier.arrive $0xFFFF  }
0x11a: {  	_ =	shalt  }

</sc_bundles>
